<compile_context>
chip_gen: v7x
topology: tpu7x:2x2x1
jax: 0.10.2.dev20260603
libtpu: 0.0.44.dev20260713+nightly
codegen_flags: <defaults>
</compile_context>

<pallas_src>
import functools

import jax
import jax.numpy as jnp
from jax import lax
from jax.experimental import pallas as pl
from jax.experimental.pallas import tpu as pltpu
from jax.experimental.pallas import tpu_sc as plsc

B = 16384
D = 64



def _make_sc_gather():
    info = plsc.get_sparse_core_info()
    nc, ns = info.num_cores, info.num_subcores
    nw = nc * ns
    bpw = B // nw

    mesh = plsc.VectorSubcoreMesh(core_axis_name="c", subcore_axis_name="s")

    @functools.partial(
        pl.kernel,
        mesh=mesh,
        out_type=jax.ShapeDtypeStruct((B, D), jnp.float32),
        scratch_types=[
            pltpu.VMEM((bpw,), jnp.int32),
            pltpu.VMEM((bpw, D), jnp.float32),
            pltpu.SemaphoreType.DMA,
        ],
    )
    def sc_gather(idx_hbm, emb_hbm, out_hbm, idx_t, rows_v, sem):
        wid = lax.axis_index("s") * nc + lax.axis_index("c")
        base = wid * bpw
        pltpu.sync_copy(idx_hbm.at[pl.ds(base, bpw)], idx_t)

        def group(t, carry):
            vec = idx_t[pl.ds(t * 16, 16)]
            for l in range(16):
                r = vec[l]
                pltpu.async_copy(emb_hbm.at[pl.ds(r, 1)],
                                 rows_v.at[pl.ds(t * 16 + l, 1)], sem)
            return carry

        lax.fori_loop(0, bpw // 16, group, 0, unroll=False)
        pltpu.make_async_copy(emb_hbm.at[pl.ds(0, bpw)], rows_v, sem).wait()
        pltpu.sync_copy(rows_v, out_hbm.at[pl.ds(base, bpw)])

    return sc_gather



def _matmul_t(x, w):
    return lax.dot_general(x, w, (((1,), (1,)), ((), ())),
                           preferred_element_type=jnp.float32)


def _bn_relu(yh, g, be, ones):
    f = yh.shape[1]
    s = lax.dot_general(ones, yh, (((1,), (0,)), ((), ())),
                        preferred_element_type=jnp.float32)
    m = s * (1.0 / B)
    gram = lax.dot_general(yh, yh, (((0,), (0,)), ((), ())),
                           preferred_element_type=jnp.float32)
    ii = lax.broadcasted_iota(jnp.int32, (f, f), 0)
    jj = lax.broadcasted_iota(jnp.int32, (f, f), 1)
    sumsq = jnp.sum(jnp.where(ii == jj, gram, 0.0), axis=0,
                    keepdims=True)
    var = sumsq * (1.0 / B) - m * m
    a = g * lax.rsqrt(var + 1e-5)
    d = be - m * a
    return jnp.maximum(yh * a + d, 0.0)


def _mlp_body(u_ref, v_ref, w0u_ref, w0v_ref, g0_ref, be0_ref,
              w1_ref, g1_ref, be1_ref, w2_ref, g2_ref, be2_ref,
              w3_ref, g3_ref, be3_ref, w4_ref, b4_ref, out_ref):
    ones = jnp.ones((1, B), jnp.float32)
    y0 = _matmul_t(u_ref[...], w0u_ref[...]) + _matmul_t(v_ref[...], w0v_ref[...])
    x = _bn_relu(y0, g0_ref[...], be0_ref[...], ones)
    x = _bn_relu(_matmul_t(x, w1_ref[...]), g1_ref[...], be1_ref[...], ones)
    x = _bn_relu(_matmul_t(x, w2_ref[...]), g2_ref[...], be2_ref[...], ones)
    x = _bn_relu(_matmul_t(x, w3_ref[...]), g3_ref[...], be3_ref[...], ones)
    y = _matmul_t(x, w4_ref[...]) + b4_ref[0, 0]
    out_ref[...] = (jax.nn.sigmoid(y) * 5.0)[:, :1]


def kernel(user_id, item_id, user_emb, item_emb, W0, b0, W1, b1, W2, b2,
           W3, b3, W4, b4, g0, be0, g1, be1, g2, be2, g3, be3):
    uid = user_id.astype(jnp.int32)
    iid = item_id.astype(jnp.int32)

    gather = _make_sc_gather()
    u = gather(uid, user_emb)
    v = gather(iid, item_emb)

    r = lambda a: a.reshape(1, -1)
    W4p = jnp.concatenate([W4, jnp.zeros((7, W4.shape[1]), jnp.float32)], axis=0)
    out = pl.pallas_call(
        _mlp_body,
        out_shape=jax.ShapeDtypeStruct((B, 1), jnp.float32),
    )(u, v, W0[:, :D], W0[:, D:], r(g0), r(be0),
      W1, r(g1), r(be1),
      W2, r(g2), r(be2),
      W3, r(g3), r(be3),
      W4p, r(b4))
    return out

# --- scband reference (transcript-rebuilt; emitter-appended) ---
"""Pipeline reference for scband-neuronal-colaborative-filter-28896539968289 (READ-ONLY COPY).

The authoritative reference and input builder live on the scoring server;
editing this copy changes nothing except your own understanding.
"""

import jax, jax.numpy as jnp
import numpy as np

U = 100000
I = 100000
D = 64
B = 16384
HL = (128, 64, 32, 16, 8)


def _kaiming(key, fan_out, fan_in):
    bound = float(np.sqrt(6.0 / fan_in))
    return jax.random.uniform(key, (fan_out, fan_in), minval=-bound, maxval=bound, dtype=jnp.float32)


def setup_inputs(seed: int = 0) -> dict:
    key = jax.random.key(seed)
    ks = jax.random.split(key, 12)
    inp = {}
    inp['user_id'] = jax.random.randint(ks[0], (B,), 0, U)
    inp['item_id'] = jax.random.randint(ks[1], (B,), 0, I)
    inp['user_emb'] = jax.random.uniform(ks[2], (U, D), minval=-0.1, maxval=0.1, dtype=jnp.float32)
    inp['item_emb'] = jax.random.uniform(ks[3], (I, D), minval=-0.1, maxval=0.1, dtype=jnp.float32)
    # MLP linear layers: 128->64->32->16->8, then 8->1
    dims = list(zip(HL[1:] + (1,), HL))  # (out, in) pairs: (64,128),(32,64),(16,32),(8,16),(1,8)
    dims = [(HL[i + 1], HL[i]) for i in range(len(HL) - 1)] + [(1, HL[-1])]
    for li, (fo, fi) in enumerate(dims):
        inp[f'W{li}'] = _kaiming(ks[4 + li], fo, fi)
        inp[f'b{li}'] = jnp.full((fo,), 0.01, dtype=jnp.float32)
    # BatchNorm params for hidden layers 64,32,16,8
    for bi, nu in enumerate(HL[1:]):
        inp[f'g{bi}'] = jnp.ones((nu,), dtype=jnp.float32)
        inp[f'be{bi}'] = jnp.zeros((nu,), dtype=jnp.float32)
    return inp


def reference(user_id, item_id, user_emb, item_emb, W0, b0, W1, b1, W2, b2, W3, b3, W4, b4, g0, be0, g1, be1, g2, be2, g3, be3):
    # NOTE: original torch code uses user_hash_size for BOTH modulos (faithful bug reproduction)
    u = jnp.take(user_emb, user_id % U, axis=0)
    v = jnp.take(item_emb, item_id % U, axis=0)
    x = jnp.concatenate([u, v], axis=1)
    # dropout is identity at inference
    Ws = [W0, W1, W2, W3]
    bs = [b0, b1, b2, b3]
    gs = [g0, g1, g2, g3]
    bes = [be0, be1, be2, be3]
    for W, b, g, be in zip(Ws, bs, gs, bes):
        x = x @ W.T + b
        m = jnp.mean(x, axis=0)
        var = jnp.var(x, axis=0)
        x = g * (x - m) / jnp.sqrt(var + 1e-5) + be
        x = jax.nn.relu(x)
    x = x @ W4.T + b4
    x = jax.nn.sigmoid(x)
    return x * 5.0

if __name__ == "__main__":
    import jax
    _d = setup_inputs()
    print(jax.jit(kernel)(*tuple(_d.values())))

</pallas_src>

<mosaic_0001>
#map = affine_map<(d0, d1) -> (0)>
#map1 = affine_map<(d0, d1) -> (0, 0)>
module attributes {stable_mosaic.version = 14 : i64} {
  func.func @sc_gather(%arg0: i32, %arg1: i32, %arg2: memref<16384xi32, #tpu.memory_space<hbm>>, %arg3: memref<100000x64xf32, #tpu.memory_space<hbm>>, %arg4: memref<16384x64xf32, #tpu.memory_space<hbm>>, %arg5: memref<512xi32, #tpu.memory_space<vmem>>, %arg6: memref<512x64xf32, #tpu.memory_space<vmem>>, %arg7: memref<!tpu.dma_semaphore, #tpu.memory_space<semaphore_mem>>) attributes {dimension_semantics = [#tpu.dimension_semantics<core_parallel>, #tpu.dimension_semantics<subcore_parallel>], iteration_bounds = array<i64: 2, 16>, scalar_prefetch = 0 : i64, scratch_operands = 3 : i64, tpu.core_type = #tpu.core_type<sc_vector_subcore>, window_params = [{transform_indices = #map}, {transform_indices = #map1}, {transform_indices = #map1}]} {
    %mul3A = arith.constant 2 : i32
    %mul3A_0 = arith.muli %arg1, %mul3A : i32
    %add3A = arith.addi %mul3A_0, %arg0 : i32
    %mul3A_1 = arith.constant 512 : i32
    %mul3A_2 = arith.muli %add3A, %mul3A_1 : i32
    "tpu.region"() ({
      %run_scoped3A = tpu.sem_alloc : memref<!tpu.dma_semaphore, #tpu.memory_space<semaphore_mem>>
      %dma_start3A = tpu.memref_slice %arg2[%mul3A_2] : memref<16384xi32, #tpu.memory_space<hbm>> -> memref<512xi32, #tpu.memory_space<hbm>>
      %dma_start3A_13 = tpu.memref_slice %arg2[%mul3A_2] : memref<16384xi32, #tpu.memory_space<hbm>> -> memref<512xi32, #tpu.memory_space<hbm>>
      tpu.enqueue_dma source(%dma_start3A_13 : memref<512xi32, #tpu.memory_space<hbm>>) target(%arg5 : memref<512xi32, #tpu.memory_space<vmem>>) target_semaphore(%run_scoped3A : memref<!tpu.dma_semaphore, #tpu.memory_space<semaphore_mem>>)
      %dma_wait3A_14 = tpu.memref_slice %arg2[%mul3A_2] : memref<16384xi32, #tpu.memory_space<hbm>> -> memref<512xi32, #tpu.memory_space<hbm>>
      %dma_wait3A_15 = tpu.memref_slice %arg2[%mul3A_2] : memref<16384xi32, #tpu.memory_space<hbm>> -> memref<512xi32, #tpu.memory_space<hbm>>
      tpu.wait_dma2 semaphore(%run_scoped3A : memref<!tpu.dma_semaphore, #tpu.memory_space<semaphore_mem>>) src(%dma_wait3A_15 : memref<512xi32, #tpu.memory_space<hbm>>) dst(%arg5 : memref<512xi32, #tpu.memory_space<vmem>>)
      tpu.yield
    }) : () -> ()
    %scan3A = arith.constant 0 : i32
    %scan3A_3 = arith.constant 0 : i32
    %scan3A_4 = arith.constant 32 : i32
    %scan3A_5 = arith.addi %scan3A_3, %scan3A_4 : i32
    %scan3A_6 = arith.constant 1 : i32
    scf.for %scan3A_13 = %scan3A_3 to %scan3A_5 step %scan3A_6  : i32 {
      %mul3A_14 = arith.constant 16 : i32
      %mul3A_15 = arith.muli %scan3A_13, %mul3A_14 : i32
      %get3A = arith.index_cast %mul3A_15 : i32 to index
      %get3A_16 = tpu.vector_load %arg5[%get3A] {strides = array<i32>} : memref<512xi32, #tpu.memory_space<vmem>>, vector<16xi32>,
      %get3A_17 = vector.shape_cast %get3A_16 : vector<16xi32> to vector<16xi32>
      %slice3A = vector.extract_strided_slice %get3A_17 {offsets = [0], sizes = [1], strides = [1]} : vector<16xi32> to vector<1xi32>
      %squeeze3A = vector.extract %slice3A[0] : i32 from vector<1xi32>
      %mul3A_18 = arith.constant 16 : i32
      %mul3A_19 = arith.muli %scan3A_13, %mul3A_18 : i32
      %add3A_20 = arith.constant 0 : i32
      %add3A_21 = arith.addi %mul3A_19, %add3A_20 : i32
      %dma_start3A = arith.constant 0 : i32
      %dma_start3A_22 = tpu.memref_slice %arg6[%add3A_21, %dma_start3A] : memref<512x64xf32, #tpu.memory_space<vmem>> -> memref<1x64xf32, #tpu.memory_space<vmem>>
      %dma_start3A_23 = arith.constant 0 : i32
      %dma_start3A_24 = tpu.memref_slice %arg3[%squeeze3A, %dma_start3A_23] : memref<100000x64xf32, #tpu.memory_space<hbm>> -> memref<1x64xf32, #tpu.memory_space<hbm>>
      %dma_start3A_25 = arith.constant 0 : i32
      %dma_start3A_26 = tpu.memref_slice %arg6[%add3A_21, %dma_start3A_25] : memref<512x64xf32, #tpu.memory_space<vmem>> -> memref<1x64xf32, #tpu.memory_space<vmem>>
      %dma_start3A_27 = arith.constant 0 : i32
      %dma_start3A_28 = tpu.memref_slice %arg3[%squeeze3A, %dma_start3A_27] : memref<100000x64xf32, #tpu.memory_space<hbm>> -> memref<1x64xf32, #tpu.memory_space<hbm>>
      tpu.enqueue_dma source(%dma_start3A_28 : memref<1x64xf32, #tpu.memory_space<hbm>>) target(%dma_start3A_26 : memref<1x64xf32, #tpu.memory_space<vmem>>) target_semaphore(%arg7 : memref<!tpu.dma_semaphore, #tpu.memory_space<semaphore_mem>>)
      %slice3A_29 = vector.extract_strided_slice %get3A_17 {offsets = [1], sizes = [1], strides = [1]} : vector<16xi32> to vector<1xi32>
      %squeeze3A_30 = vector.extract %slice3A_29[0] : i32 from vector<1xi32>
      %mul3A_31 = arith.constant 16 : i32
      %mul3A_32 = arith.muli %scan3A_13, %mul3A_31 : i32
      %add3A_33 = arith.constant 1 : i32
      %add3A_34 = arith.addi %mul3A_32, %add3A_33 : i32
      %dma_start3A_35 = arith.constant 0 : i32
      %dma_start3A_36 = tpu.memref_slice %arg6[%add3A_34, %dma_start3A_35] : memref<512x64xf32, #tpu.memory_space<vmem>> -> memref<1x64xf32, #tpu.memory_space<vmem>>
      %dma_start3A_37 = arith.constant 0 : i32
      %dma_start3A_38 = tpu.memref_slice %arg3[%squeeze3A_30, %dma_start3A_37] : memref<100000x64xf32, #tpu.memory_space<hbm>> -> memref<1x64xf32, #tpu.memory_space<hbm>>
      %dma_start3A_39 = arith.constant 0 : i32
      %dma_start3A_40 = tpu.memref_slice %arg6[%add3A_34, %dma_start3A_39] : memref<512x64xf32, #tpu.memory_space<vmem>> -> memref<1x64xf32, #tpu.memory_space<vmem>>
      %dma_start3A_41 = arith.constant 0 : i32
      %dma_start3A_42 = tpu.memref_slice %arg3[%squeeze3A_30, %dma_start3A_41] : memref<100000x64xf32, #tpu.memory_space<hbm>> -> memref<1x64xf32, #tpu.memory_space<hbm>>
      tpu.enqueue_dma source(%dma_start3A_42 : memref<1x64xf32, #tpu.memory_space<hbm>>) target(%dma_start3A_40 : memref<1x64xf32, #tpu.memory_space<vmem>>) target_semaphore(%arg7 : memref<!tpu.dma_semaphore, #tpu.memory_space<semaphore_mem>>)
      %slice3A_43 = vector.extract_strided_slice %get3A_17 {offsets = [2], sizes = [1], strides = [1]} : vector<16xi32> to vector<1xi32>
      %squeeze3A_44 = vector.extract %slice3A_43[0] : i32 from vector<1xi32>
      %mul3A_45 = arith.constant 16 : i32
      %mul3A_46 = arith.muli %scan3A_13, %mul3A_45 : i32
      %add3A_47 = arith.constant 2 : i32
      %add3A_48 = arith.addi %mul3A_46, %add3A_47 : i32
      %dma_start3A_49 = arith.constant 0 : i32
      %dma_start3A_50 = tpu.memref_slice %arg6[%add3A_48, %dma_start3A_49] : memref<512x64xf32, #tpu.memory_space<vmem>> -> memref<1x64xf32, #tpu.memory_space<vmem>>
      %dma_start3A_51 = arith.constant 0 : i32
      %dma_start3A_52 = tpu.memref_slice %arg3[%squeeze3A_44, %dma_start3A_51] : memref<100000x64xf32, #tpu.memory_space<hbm>> -> memref<1x64xf32, #tpu.memory_space<hbm>>
      %dma_start3A_53 = arith.constant 0 : i32
      %dma_start3A_54 = tpu.memref_slice %arg6[%add3A_48, %dma_start3A_53] : memref<512x64xf32, #tpu.memory_space<vmem>> -> memref<1x64xf32, #tpu.memory_space<vmem>>
      %dma_start3A_55 = arith.constant 0 : i32
      %dma_start3A_56 = tpu.memref_slice %arg3[%squeeze3A_44, %dma_start3A_55] : memref<100000x64xf32, #tpu.memory_space<hbm>> -> memref<1x64xf32, #tpu.memory_space<hbm>>
      tpu.enqueue_dma source(%dma_start3A_56 : memref<1x64xf32, #tpu.memory_space<hbm>>) target(%dma_start3A_54 : memref<1x64xf32, #tpu.memory_space<vmem>>) target_semaphore(%arg7 : memref<!tpu.dma_semaphore, #tpu.memory_space<semaphore_mem>>)
      %slice3A_57 = vector.extract_strided_slice %get3A_17 {offsets = [3], sizes = [1], strides = [1]} : vector<16xi32> to vector<1xi32>
      %squeeze3A_58 = vector.extract %slice3A_57[0] : i32 from vector<1xi32>
      %mul3A_59 = arith.constant 16 : i32
      %mul3A_60 = arith.muli %scan3A_13, %mul3A_59 : i32
      %add3A_61 = arith.constant 3 : i32
      %add3A_62 = arith.addi %mul3A_60, %add3A_61 : i32
      %dma_start3A_63 = arith.constant 0 : i32
      %dma_start3A_64 = tpu.memref_slice %arg6[%add3A_62, %dma_start3A_63] : memref<512x64xf32, #tpu.memory_space<vmem>> -> memref<1x64xf32, #tpu.memory_space<vmem>>
      %dma_start3A_65 = arith.constant 0 : i32
      %dma_start3A_66 = tpu.memref_slice %arg3[%squeeze3A_58, %dma_start3A_65] : memref<100000x64xf32, #tpu.memory_space<hbm>> -> memref<1x64xf32, #tpu.memory_space<hbm>>
      %dma_start3A_67 = arith.constant 0 : i32
      %dma_start3A_68 = tpu.memref_slice %arg6[%add3A_62, %dma_start3A_67] : memref<512x64xf32, #tpu.memory_space<vmem>> -> memref<1x64xf32, #tpu.memory_space<vmem>>
      %dma_start3A_69 = arith.constant 0 : i32
      %dma_start3A_70 = tpu.memref_slice %arg3[%squeeze3A_58, %dma_start3A_69] : memref<100000x64xf32, #tpu.memory_space<hbm>> -> memref<1x64xf32, #tpu.memory_space<hbm>>
      tpu.enqueue_dma source(%dma_start3A_70 : memref<1x64xf32, #tpu.memory_space<hbm>>) target(%dma_start3A_68 : memref<1x64xf32, #tpu.memory_space<vmem>>) target_semaphore(%arg7 : memref<!tpu.dma_semaphore, #tpu.memory_space<semaphore_mem>>)
      %slice3A_71 = vector.extract_strided_slice %get3A_17 {offsets = [4], sizes = [1], strides = [1]} : vector<16xi32> to vector<1xi32>
      %squeeze3A_72 = vector.extract %slice3A_71[0] : i32 from vector<1xi32>
      %mul3A_73 = arith.constant 16 : i32
      %mul3A_74 = arith.muli %scan3A_13, %mul3A_73 : i32
      %add3A_75 = arith.constant 4 : i32
      %add3A_76 = arith.addi %mul3A_74, %add3A_75 : i32
      %dma_start3A_77 = arith.constant 0 : i32
      %dma_start3A_78 = tpu.memref_slice %arg6[%add3A_76, %dma_start3A_77] : memref<512x64xf32, #tpu.memory_space<vmem>> -> memref<1x64xf32, #tpu.memory_space<vmem>>
      %dma_start3A_79 = arith.constant 0 : i32
      %dma_start3A_80 = tpu.memref_slice %arg3[%squeeze3A_72, %dma_start3A_79] : memref<100000x64xf32, #tpu.memory_space<hbm>> -> memref<1x64xf32, #tpu.memory_space<hbm>>
      %dma_start3A_81 = arith.constant 0 : i32
      %dma_start3A_82 = tpu.memref_slice %arg6[%add3A_76, %dma_start3A_81] : memref<512x64xf32, #tpu.memory_space<vmem>> -> memref<1x64xf32, #tpu.memory_space<vmem>>
      %dma_start3A_83 = arith.constant 0 : i32
      %dma_start3A_84 = tpu.memref_slice %arg3[%squeeze3A_72, %dma_start3A_83] : memref<100000x64xf32, #tpu.memory_space<hbm>> -> memref<1x64xf32, #tpu.memory_space<hbm>>
      tpu.enqueue_dma source(%dma_start3A_84 : memref<1x64xf32, #tpu.memory_space<hbm>>) target(%dma_start3A_82 : memref<1x64xf32, #tpu.memory_space<vmem>>) target_semaphore(%arg7 : memref<!tpu.dma_semaphore, #tpu.memory_space<semaphore_mem>>)
      %slice3A_85 = vector.extract_strided_slice %get3A_17 {offsets = [5], sizes = [1], strides = [1]} : vector<16xi32> to vector<1xi32>
      %squeeze3A_86 = vector.extract %slice3A_85[0] : i32 from vector<1xi32>
      %mul3A_87 = arith.constant 16 : i32
      %mul3A_88 = arith.muli %scan3A_13, %mul3A_87 : i32
      %add3A_89 = arith.constant 5 : i32
      %add3A_90 = arith.addi %mul3A_88, %add3A_89 : i32
      %dma_start3A_91 = arith.constant 0 : i32
      %dma_start3A_92 = tpu.memref_slice %arg6[%add3A_90, %dma_start3A_91] : memref<512x64xf32, #tpu.memory_space<vmem>> -> memref<1x64xf32, #tpu.memory_space<vmem>>
      %dma_start3A_93 = arith.constant 0 : i32
      %dma_start3A_94 = tpu.memref_slice %arg3[%squeeze3A_86, %dma_start3A_93] : memref<100000x64xf32, #tpu.memory_space<hbm>> -> memref<1x64xf32, #tpu.memory_space<hbm>>
      %dma_start3A_95 = arith.constant 0 : i32
      %dma_start3A_96 = tpu.memref_slice %arg6[%add3A_90, %dma_start3A_95] : memref<512x64xf32, #tpu.memory_space<vmem>> -> memref<1x64xf32, #tpu.memory_space<vmem>>
      %dma_start3A_97 = arith.constant 0 : i32
      %dma_start3A_98 = tpu.memref_slice %arg3[%squeeze3A_86, %dma_start3A_97] : memref<100000x64xf32, #tpu.memory_space<hbm>> -> memref<1x64xf32, #tpu.memory_space<hbm>>
      tpu.enqueue_dma source(%dma_start3A_98 : memref<1x64xf32, #tpu.memory_space<hbm>>) target(%dma_start3A_96 : memref<1x64xf32, #tpu.memory_space<vmem>>) target_semaphore(%arg7 : memref<!tpu.dma_semaphore, #tpu.memory_space<semaphore_mem>>)
      %slice3A_99 = vector.extract_strided_slice %get3A_17 {offsets = [6], sizes = [1], strides = [1]} : vector<16xi32> to vector<1xi32>
      %squeeze3A_100 = vector.extract %slice3A_99[0] : i32 from vector<1xi32>
      %mul3A_101 = arith.constant 16 : i32
      %mul3A_102 = arith.muli %scan3A_13, %mul3A_101 : i32
      %add3A_103 = arith.constant 6 : i32
      %add3A_104 = arith.addi %mul3A_102, %add3A_103 : i32
      %dma_start3A_105 = arith.constant 0 : i32
      %dma_start3A_106 = tpu.memref_slice %arg6[%add3A_104, %dma_start3A_105] : memref<512x64xf32, #tpu.memory_space<vmem>> -> memref<1x64xf32, #tpu.memory_space<vmem>>
      %dma_start3A_107 = arith.constant 0 : i32
      %dma_start3A_108 = tpu.memref_slice %arg3[%squeeze3A_100, %dma_start3A_107] : memref<100000x64xf32, #tpu.memory_space<hbm>> -> memref<1x64xf32, #tpu.memory_space<hbm>>
      %dma_start3A_109 = arith.constant 0 : i32
      %dma_start3A_110 = tpu.memref_slice %arg6[%add3A_104, %dma_start3A_109] : memref<512x64xf32, #tpu.memory_space<vmem>> -> memref<1x64xf32, #tpu.memory_space<vmem>>
      %dma_start3A_111 = arith.constant 0 : i32
      %dma_start3A_112 = tpu.memref_slice %arg3[%squeeze3A_100, %dma_start3A_111] : memref<100000x64xf32, #tpu.memory_space<hbm>> -> memref<1x64xf32, #tpu.memory_space<hbm>>
      tpu.enqueue_dma source(%dma_start3A_112 : memref<1x64xf32, #tpu.memory_space<hbm>>) target(%dma_start3A_110 : memref<1x64xf32, #tpu.memory_space<vmem>>) target_semaphore(%arg7 : memref<!tpu.dma_semaphore, #tpu.memory_space<semaphore_mem>>)
      %slice3A_113 = vector.extract_strided_slice %get3A_17 {offsets = [7], sizes = [1], strides = [1]} : vector<16xi32> to vector<1xi32>
      %squeeze3A_114 = vector.extract %slice3A_113[0] : i32 from vector<1xi32>
      %mul3A_115 = arith.constant 16 : i32
      %mul3A_116 = arith.muli %scan3A_13, %mul3A_115 : i32
      %add3A_117 = arith.constant 7 : i32
      %add3A_118 = arith.addi %mul3A_116, %add3A_117 : i32
      %dma_start3A_119 = arith.constant 0 : i32
      %dma_start3A_120 = tpu.memref_slice %arg6[%add3A_118, %dma_start3A_119] : memref<512x64xf32, #tpu.memory_space<vmem>> -> memref<1x64xf32, #tpu.memory_space<vmem>>
      %dma_start3A_121 = arith.constant 0 : i32
      %dma_start3A_122 = tpu.memref_slice %arg3[%squeeze3A_114, %dma_start3A_121] : memref<100000x64xf32, #tpu.memory_space<hbm>> -> memref<1x64xf32, #tpu.memory_space<hbm>>
      %dma_start3A_123 = arith.constant 0 : i32
      %dma_start3A_124 = tpu.memref_slice %arg6[%add3A_118, %dma_start3A_123] : memref<512x64xf32, #tpu.memory_space<vmem>> -> memref<1x64xf32, #tpu.memory_space<vmem>>
      %dma_start3A_125 = arith.constant 0 : i32
      %dma_start3A_126 = tpu.memref_slice %arg3[%squeeze3A_114, %dma_start3A_125] : memref<100000x64xf32, #tpu.memory_space<hbm>> -> memref<1x64xf32, #tpu.memory_space<hbm>>
      tpu.enqueue_dma source(%dma_start3A_126 : memref<1x64xf32, #tpu.memory_space<hbm>>) target(%dma_start3A_124 : memref<1x64xf32, #tpu.memory_space<vmem>>) target_semaphore(%arg7 : memref<!tpu.dma_semaphore, #tpu.memory_space<semaphore_mem>>)
      %slice3A_127 = vector.extract_strided_slice %get3A_17 {offsets = [8], sizes = [1], strides = [1]} : vector<16xi32> to vector<1xi32>
      %squeeze3A_128 = vector.extract %slice3A_127[0] : i32 from vector<1xi32>
      %mul3A_129 = arith.constant 16 : i32
      %mul3A_130 = arith.muli %scan3A_13, %mul3A_129 : i32
      %add3A_131 = arith.constant 8 : i32
      %add3A_132 = arith.addi %mul3A_130, %add3A_131 : i32
      %dma_start3A_133 = arith.constant 0 : i32
      %dma_start3A_134 = tpu.memref_slice %arg6[%add3A_132, %dma_start3A_133] : memref<512x64xf32, #tpu.memory_space<vmem>> -> memref<1x64xf32, #tpu.memory_space<vmem>>
      %dma_start3A_135 = arith.constant 0 : i32
      %dma_start3A_136 = tpu.memref_slice %arg3[%squeeze3A_128, %dma_start3A_135] : memref<100000x64xf32, #tpu.memory_space<hbm>> -> memref<1x64xf32, #tpu.memory_space<hbm>>
      %dma_start3A_137 = arith.constant 0 : i32
      %dma_start3A_138 = tpu.memref_slice %arg6[%add3A_132, %dma_start3A_137] : memref<512x64xf32, #tpu.memory_space<vmem>> -> memref<1x64xf32, #tpu.memory_space<vmem>>
      %dma_start3A_139 = arith.constant 0 : i32
      %dma_start3A_140 = tpu.memref_slice %arg3[%squeeze3A_128, %dma_start3A_139] : memref<100000x64xf32, #tpu.memory_space<hbm>> -> memref<1x64xf32, #tpu.memory_space<hbm>>
      tpu.enqueue_dma source(%dma_start3A_140 : memref<1x64xf32, #tpu.memory_space<hbm>>) target(%dma_start3A_138 : memref<1x64xf32, #tpu.memory_space<vmem>>) target_semaphore(%arg7 : memref<!tpu.dma_semaphore, #tpu.memory_space<semaphore_mem>>)
      %slice3A_141 = vector.extract_strided_slice %get3A_17 {offsets = [9], sizes = [1], strides = [1]} : vector<16xi32> to vector<1xi32>
      %squeeze3A_142 = vector.extract %slice3A_141[0] : i32 from vector<1xi32>
      %mul3A_143 = arith.constant 16 : i32
      %mul3A_144 = arith.muli %scan3A_13, %mul3A_143 : i32
      %add3A_145 = arith.constant 9 : i32
      %add3A_146 = arith.addi %mul3A_144, %add3A_145 : i32
      %dma_start3A_147 = arith.constant 0 : i32
      %dma_start3A_148 = tpu.memref_slice %arg6[%add3A_146, %dma_start3A_147] : memref<512x64xf32, #tpu.memory_space<vmem>> -> memref<1x64xf32, #tpu.memory_space<vmem>>
      %dma_start3A_149 = arith.constant 0 : i32
      %dma_start3A_150 = tpu.memref_slice %arg3[%squeeze3A_142, %dma_start3A_149] : memref<100000x64xf32, #tpu.memory_space<hbm>> -> memref<1x64xf32, #tpu.memory_space<hbm>>
      %dma_start3A_151 = arith.constant 0 : i32
      %dma_start3A_152 = tpu.memref_slice %arg6[%add3A_146, %dma_start3A_151] : memref<512x64xf32, #tpu.memory_space<vmem>> -> memref<1x64xf32, #tpu.memory_space<vmem>>
      %dma_start3A_153 = arith.constant 0 : i32
      %dma_start3A_154 = tpu.memref_slice %arg3[%squeeze3A_142, %dma_start3A_153] : memref<100000x64xf32, #tpu.memory_space<hbm>> -> memref<1x64xf32, #tpu.memory_space<hbm>>
      tpu.enqueue_dma source(%dma_start3A_154 : memref<1x64xf32, #tpu.memory_space<hbm>>) target(%dma_start3A_152 : memref<1x64xf32, #tpu.memory_space<vmem>>) target_semaphore(%arg7 : memref<!tpu.dma_semaphore, #tpu.memory_space<semaphore_mem>>)
      %slice3A_155 = vector.extract_strided_slice %get3A_17 {offsets = [10], sizes = [1], strides = [1]} : vector<16xi32> to vector<1xi32>
      %squeeze3A_156 = vector.extract %slice3A_155[0] : i32 from vector<1xi32>
      %mul3A_157 = arith.constant 16 : i32
      %mul3A_158 = arith.muli %scan3A_13, %mul3A_157 : i32
      %add3A_159 = arith.constant 10 : i32
      %add3A_160 = arith.addi %mul3A_158, %add3A_159 : i32
      %dma_start3A_161 = arith.constant 0 : i32
      %dma_start3A_162 = tpu.memref_slice %arg6[%add3A_160, %dma_start3A_161] : memref<512x64xf32, #tpu.memory_space<vmem>> -> memref<1x64xf32, #tpu.memory_space<vmem>>
      %dma_start3A_163 = arith.constant 0 : i32
      %dma_start3A_164 = tpu.memref_slice %arg3[%squeeze3A_156, %dma_start3A_163] : memref<100000x64xf32, #tpu.memory_space<hbm>> -> memref<1x64xf32, #tpu.memory_space<hbm>>
      %dma_start3A_165 = arith.constant 0 : i32
      %dma_start3A_166 = tpu.memref_slice %arg6[%add3A_160, %dma_start3A_165] : memref<512x64xf32, #tpu.memory_space<vmem>> -> memref<1x64xf32, #tpu.memory_space<vmem>>
      %dma_start3A_167 = arith.constant 0 : i32
      %dma_start3A_168 = tpu.memref_slice %arg3[%squeeze3A_156, %dma_start3A_167] : memref<100000x64xf32, #tpu.memory_space<hbm>> -> memref<1x64xf32, #tpu.memory_space<hbm>>
      tpu.enqueue_dma source(%dma_start3A_168 : memref<1x64xf32, #tpu.memory_space<hbm>>) target(%dma_start3A_166 : memref<1x64xf32, #tpu.memory_space<vmem>>) target_semaphore(%arg7 : memref<!tpu.dma_semaphore, #tpu.memory_space<semaphore_mem>>)
      %slice3A_169 = vector.extract_strided_slice %get3A_17 {offsets = [11], sizes = [1], strides = [1]} : vector<16xi32> to vector<1xi32>
      %squeeze3A_170 = vector.extract %slice3A_169[0] : i32 from vector<1xi32>
      %mul3A_171 = arith.constant 16 : i32
      %mul3A_172 = arith.muli %scan3A_13, %mul3A_171 : i32
      %add3A_173 = arith.constant 11 : i32
      %add3A_174 = arith.addi %mul3A_172, %add3A_173 : i32
      %dma_start3A_175 = arith.constant 0 : i32
      %dma_start3A_176 = tpu.memref_slice %arg6[%add3A_174, %dma_start3A_175] : memref<512x64xf32, #tpu.memory_space<vmem>> -> memref<1x64xf32, #tpu.memory_space<vmem>>
      %dma_start3A_177 = arith.constant 0 : i32
      %dma_start3A_178 = tpu.memref_slice %arg3[%squeeze3A_170, %dma_start3A_177] : memref<100000x64xf32, #tpu.memory_space<hbm>> -> memref<1x64xf32, #tpu.memory_space<hbm>>
      %dma_start3A_179 = arith.constant 0 : i32
      %dma_start3A_180 = tpu.memref_slice %arg6[%add3A_174, %dma_start3A_179] : memref<512x64xf32, #tpu.memory_space<vmem>> -> memref<1x64xf32, #tpu.memory_space<vmem>>
      %dma_start3A_181 = arith.constant 0 : i32
      %dma_start3A_182 = tpu.memref_slice %arg3[%squeeze3A_170, %dma_start3A_181] : memref<100000x64xf32, #tpu.memory_space<hbm>> -> memref<1x64xf32, #tpu.memory_space<hbm>>
      tpu.enqueue_dma source(%dma_start3A_182 : memref<1x64xf32, #tpu.memory_space<hbm>>) target(%dma_start3A_180 : memref<1x64xf32, #tpu.memory_space<vmem>>) target_semaphore(%arg7 : memref<!tpu.dma_semaphore, #tpu.memory_space<semaphore_mem>>)
      %slice3A_183 = vector.extract_strided_slice %get3A_17 {offsets = [12], sizes = [1], strides = [1]} : vector<16xi32> to vector<1xi32>
      %squeeze3A_184 = vector.extract %slice3A_183[0] : i32 from vector<1xi32>
      %mul3A_185 = arith.constant 16 : i32
      %mul3A_186 = arith.muli %scan3A_13, %mul3A_185 : i32
      %add3A_187 = arith.constant 12 : i32
      %add3A_188 = arith.addi %mul3A_186, %add3A_187 : i32
      %dma_start3A_189 = arith.constant 0 : i32
      %dma_start3A_190 = tpu.memref_slice %arg6[%add3A_188, %dma_start3A_189] : memref<512x64xf32, #tpu.memory_space<vmem>> -> memref<1x64xf32, #tpu.memory_space<vmem>>
      %dma_start3A_191 = arith.constant 0 : i32
      %dma_start3A_192 = tpu.memref_slice %arg3[%squeeze3A_184, %dma_start3A_191] : memref<100000x64xf32, #tpu.memory_space<hbm>> -> memref<1x64xf32, #tpu.memory_space<hbm>>
      %dma_start3A_193 = arith.constant 0 : i32
      %dma_start3A_194 = tpu.memref_slice %arg6[%add3A_188, %dma_start3A_193] : memref<512x64xf32, #tpu.memory_space<vmem>> -> memref<1x64xf32, #tpu.memory_space<vmem>>
      %dma_start3A_195 = arith.constant 0 : i32
      %dma_start3A_196 = tpu.memref_slice %arg3[%squeeze3A_184, %dma_start3A_195] : memref<100000x64xf32, #tpu.memory_space<hbm>> -> memref<1x64xf32, #tpu.memory_space<hbm>>
      tpu.enqueue_dma source(%dma_start3A_196 : memref<1x64xf32, #tpu.memory_space<hbm>>) target(%dma_start3A_194 : memref<1x64xf32, #tpu.memory_space<vmem>>) target_semaphore(%arg7 : memref<!tpu.dma_semaphore, #tpu.memory_space<semaphore_mem>>)
      %slice3A_197 = vector.extract_strided_slice %get3A_17 {offsets = [13], sizes = [1], strides = [1]} : vector<16xi32> to vector<1xi32>
      %squeeze3A_198 = vector.extract %slice3A_197[0] : i32 from vector<1xi32>
      %mul3A_199 = arith.constant 16 : i32
      %mul3A_200 = arith.muli %scan3A_13, %mul3A_199 : i32
      %add3A_201 = arith.constant 13 : i32
      %add3A_202 = arith.addi %mul3A_200, %add3A_201 : i32
      %dma_start3A_203 = arith.constant 0 : i32
      %dma_start3A_204 = tpu.memref_slice %arg6[%add3A_202, %dma_start3A_203] : memref<512x64xf32, #tpu.memory_space<vmem>> -> memref<1x64xf32, #tpu.memory_space<vmem>>
      %dma_start3A_205 = arith.constant 0 : i32
      %dma_start3A_206 = tpu.memref_slice %arg3[%squeeze3A_198, %dma_start3A_205] : memref<100000x64xf32, #tpu.memory_space<hbm>> -> memref<1x64xf32, #tpu.memory_space<hbm>>
      %dma_start3A_207 = arith.constant 0 : i32
      %dma_start3A_208 = tpu.memref_slice %arg6[%add3A_202, %dma_start3A_207] : memref<512x64xf32, #tpu.memory_space<vmem>> -> memref<1x64xf32, #tpu.memory_space<vmem>>
      %dma_start3A_209 = arith.constant 0 : i32
      %dma_start3A_210 = tpu.memref_slice %arg3[%squeeze3A_198, %dma_start3A_209] : memref<100000x64xf32, #tpu.memory_space<hbm>> -> memref<1x64xf32, #tpu.memory_space<hbm>>
      tpu.enqueue_dma source(%dma_start3A_210 : memref<1x64xf32, #tpu.memory_space<hbm>>) target(%dma_start3A_208 : memref<1x64xf32, #tpu.memory_space<vmem>>) target_semaphore(%arg7 : memref<!tpu.dma_semaphore, #tpu.memory_space<semaphore_mem>>)
      %slice3A_211 = vector.extract_strided_slice %get3A_17 {offsets = [14], sizes = [1], strides = [1]} : vector<16xi32> to vector<1xi32>
      %squeeze3A_212 = vector.extract %slice3A_211[0] : i32 from vector<1xi32>
      %mul3A_213 = arith.constant 16 : i32
      %mul3A_214 = arith.muli %scan3A_13, %mul3A_213 : i32
      %add3A_215 = arith.constant 14 : i32
      %add3A_216 = arith.addi %mul3A_214, %add3A_215 : i32
      %dma_start3A_217 = arith.constant 0 : i32
      %dma_start3A_218 = tpu.memref_slice %arg6[%add3A_216, %dma_start3A_217] : memref<512x64xf32, #tpu.memory_space<vmem>> -> memref<1x64xf32, #tpu.memory_space<vmem>>
      %dma_start3A_219 = arith.constant 0 : i32
      %dma_start3A_220 = tpu.memref_slice %arg3[%squeeze3A_212, %dma_start3A_219] : memref<100000x64xf32, #tpu.memory_space<hbm>> -> memref<1x64xf32, #tpu.memory_space<hbm>>
      %dma_start3A_221 = arith.constant 0 : i32
      %dma_start3A_222 = tpu.memref_slice %arg6[%add3A_216, %dma_start3A_221] : memref<512x64xf32, #tpu.memory_space<vmem>> -> memref<1x64xf32, #tpu.memory_space<vmem>>
      %dma_start3A_223 = arith.constant 0 : i32
      %dma_start3A_224 = tpu.memref_slice %arg3[%squeeze3A_212, %dma_start3A_223] : memref<100000x64xf32, #tpu.memory_space<hbm>> -> memref<1x64xf32, #tpu.memory_space<hbm>>
      tpu.enqueue_dma source(%dma_start3A_224 : memref<1x64xf32, #tpu.memory_space<hbm>>) target(%dma_start3A_222 : memref<1x64xf32, #tpu.memory_space<vmem>>) target_semaphore(%arg7 : memref<!tpu.dma_semaphore, #tpu.memory_space<semaphore_mem>>)
      %slice3A_225 = vector.extract_strided_slice %get3A_17 {offsets = [15], sizes = [1], strides = [1]} : vector<16xi32> to vector<1xi32>
      %squeeze3A_226 = vector.extract %slice3A_225[0] : i32 from vector<1xi32>
      %mul3A_227 = arith.constant 16 : i32
      %mul3A_228 = arith.muli %scan3A_13, %mul3A_227 : i32
      %add3A_229 = arith.constant 15 : i32
      %add3A_230 = arith.addi %mul3A_228, %add3A_229 : i32
      %dma_start3A_231 = arith.constant 0 : i32
      %dma_start3A_232 = tpu.memref_slice %arg6[%add3A_230, %dma_start3A_231] : memref<512x64xf32, #tpu.memory_space<vmem>> -> memref<1x64xf32, #tpu.memory_space<vmem>>
      %dma_start3A_233 = arith.constant 0 : i32
      %dma_start3A_234 = tpu.memref_slice %arg3[%squeeze3A_226, %dma_start3A_233] : memref<100000x64xf32, #tpu.memory_space<hbm>> -> memref<1x64xf32, #tpu.memory_space<hbm>>
      %dma_start3A_235 = arith.constant 0 : i32
      %dma_start3A_236 = tpu.memref_slice %arg6[%add3A_230, %dma_start3A_235] : memref<512x64xf32, #tpu.memory_space<vmem>> -> memref<1x64xf32, #tpu.memory_space<vmem>>
      %dma_start3A_237 = arith.constant 0 : i32
      %dma_start3A_238 = tpu.memref_slice %arg3[%squeeze3A_226, %dma_start3A_237] : memref<100000x64xf32, #tpu.memory_space<hbm>> -> memref<1x64xf32, #tpu.memory_space<hbm>>
      tpu.enqueue_dma source(%dma_start3A_238 : memref<1x64xf32, #tpu.memory_space<hbm>>) target(%dma_start3A_236 : memref<1x64xf32, #tpu.memory_space<vmem>>) target_semaphore(%arg7 : memref<!tpu.dma_semaphore, #tpu.memory_space<semaphore_mem>>)
    }
    %scan3A_7 = arith.constant 32 : i32
    %dma_wait3A = arith.constant 0 : i32
    %dma_wait3A_8 = arith.constant 0 : i32
    %dma_wait3A_9 = tpu.memref_slice %arg3[%dma_wait3A, %dma_wait3A_8] : memref<100000x64xf32, #tpu.memory_space<hbm>> -> memref<512x64xf32, #tpu.memory_space<hbm>>
    %dma_wait3A_10 = arith.constant 0 : i32
    %dma_wait3A_11 = arith.constant 0 : i32
    %dma_wait3A_12 = tpu.memref_slice %arg3[%dma_wait3A_10, %dma_wait3A_11] : memref<100000x64xf32, #tpu.memory_space<hbm>> -> memref<512x64xf32, #tpu.memory_space<hbm>>
    tpu.wait_dma2 semaphore(%arg7 : memref<!tpu.dma_semaphore, #tpu.memory_space<semaphore_mem>>) src(%dma_wait3A_12 : memref<512x64xf32, #tpu.memory_space<hbm>>) dst(%arg6 : memref<512x64xf32, #tpu.memory_space<vmem>>)
    "tpu.region"() ({
      %run_scoped3A = tpu.sem_alloc : memref<!tpu.dma_semaphore, #tpu.memory_space<semaphore_mem>>
      %dma_start3A = arith.constant 0 : i32
      %dma_start3A_13 = tpu.memref_slice %arg4[%mul3A_2, %dma_start3A] : memref<16384x64xf32, #tpu.memory_space<hbm>> -> memref<512x64xf32, #tpu.memory_space<hbm>>
      %dma_start3A_14 = arith.constant 0 : i32
      %dma_start3A_15 = tpu.memref_slice %arg4[%mul3A_2, %dma_start3A_14] : memref<16384x64xf32, #tpu.memory_space<hbm>> -> memref<512x64xf32, #tpu.memory_space<hbm>>
      tpu.enqueue_dma source(%arg6 : memref<512x64xf32, #tpu.memory_space<vmem>>) target(%dma_start3A_15 : memref<512x64xf32, #tpu.memory_space<hbm>>) target_semaphore(%run_scoped3A : memref<!tpu.dma_semaphore, #tpu.memory_space<semaphore_mem>>)
      %dma_wait3A_16 = arith.constant 0 : i32
      %dma_wait3A_17 = tpu.memref_slice %arg4[%mul3A_2, %dma_wait3A_16] : memref<16384x64xf32, #tpu.memory_space<hbm>> -> memref<512x64xf32, #tpu.memory_space<hbm>>
      %dma_wait3A_18 = arith.constant 0 : i32
      %dma_wait3A_19 = tpu.memref_slice %arg4[%mul3A_2, %dma_wait3A_18] : memref<16384x64xf32, #tpu.memory_space<hbm>> -> memref<512x64xf32, #tpu.memory_space<hbm>>
      tpu.wait_dma2 semaphore(%run_scoped3A : memref<!tpu.dma_semaphore, #tpu.memory_space<semaphore_mem>>) src(%arg6 : memref<512x64xf32, #tpu.memory_space<vmem>>) dst(%dma_wait3A_19 : memref<512x64xf32, #tpu.memory_space<hbm>>)
      tpu.yield
    }) : () -> ()
    return
  }
}

#map = affine_map<(d0, d1) -> (0)>
#map1 = affine_map<(d0, d1) -> (0, 0)>
module attributes {stable_mosaic.version = 14 : i64} {
  func.func @sc_gather(%arg0: i32, %arg1: i32, %arg2: memref<16384xi32, #tpu.memory_space<hbm>>, %arg3: memref<100000x64xf32, #tpu.memory_space<hbm>>, %arg4: memref<16384x64xf32, #tpu.memory_space<hbm>>, %arg5: memref<512xi32, #tpu.memory_space<vmem>>, %arg6: memref<512x64xf32, #tpu.memory_space<vmem>>, %arg7: memref<!tpu.dma_semaphore, #tpu.memory_space<semaphore_mem>>) attributes {dimension_semantics = [#tpu.dimension_semantics<core_parallel>, #tpu.dimension_semantics<subcore_parallel>], iteration_bounds = array<i64: 2, 16>, scalar_prefetch = 0 : i64, scratch_operands = 3 : i64, tpu.core_type = #tpu.core_type<sc_vector_subcore>, window_params = [{transform_indices = #map}, {transform_indices = #map1}, {transform_indices = #map1}]} {
    %mul3A = arith.constant 2 : i32
    %mul3A_0 = arith.muli %arg1, %mul3A : i32
    %add3A = arith.addi %mul3A_0, %arg0 : i32
    %mul3A_1 = arith.constant 512 : i32
    %mul3A_2 = arith.muli %add3A, %mul3A_1 : i32
    "tpu.region"() ({
      %run_scoped3A = tpu.sem_alloc : memref<!tpu.dma_semaphore, #tpu.memory_space<semaphore_mem>>
      %dma_start3A = tpu.memref_slice %arg2[%mul3A_2] : memref<16384xi32, #tpu.memory_space<hbm>> -> memref<512xi32, #tpu.memory_space<hbm>>
      %dma_start3A_13 = tpu.memref_slice %arg2[%mul3A_2] : memref<16384xi32, #tpu.memory_space<hbm>> -> memref<512xi32, #tpu.memory_space<hbm>>
      tpu.enqueue_dma source(%dma_start3A_13 : memref<512xi32, #tpu.memory_space<hbm>>) target(%arg5 : memref<512xi32, #tpu.memory_space<vmem>>) target_semaphore(%run_scoped3A : memref<!tpu.dma_semaphore, #tpu.memory_space<semaphore_mem>>)
      %dma_wait3A_14 = tpu.memref_slice %arg2[%mul3A_2] : memref<16384xi32, #tpu.memory_space<hbm>> -> memref<512xi32, #tpu.memory_space<hbm>>
      %dma_wait3A_15 = tpu.memref_slice %arg2[%mul3A_2] : memref<16384xi32, #tpu.memory_space<hbm>> -> memref<512xi32, #tpu.memory_space<hbm>>
      tpu.wait_dma2 semaphore(%run_scoped3A : memref<!tpu.dma_semaphore, #tpu.memory_space<semaphore_mem>>) src(%dma_wait3A_15 : memref<512xi32, #tpu.memory_space<hbm>>) dst(%arg5 : memref<512xi32, #tpu.memory_space<vmem>>)
      tpu.yield
    }) : () -> ()
    %scan3A = arith.constant 0 : i32
    %scan3A_3 = arith.constant 0 : i32
    %scan3A_4 = arith.constant 32 : i32
    %scan3A_5 = arith.addi %scan3A_3, %scan3A_4 : i32
    %scan3A_6 = arith.constant 1 : i32
    scf.for %scan3A_13 = %scan3A_3 to %scan3A_5 step %scan3A_6  : i32 {
      %mul3A_14 = arith.constant 16 : i32
      %mul3A_15 = arith.muli %scan3A_13, %mul3A_14 : i32
      %get3A = arith.index_cast %mul3A_15 : i32 to index
      %get3A_16 = tpu.vector_load %arg5[%get3A] {strides = array<i32>} : memref<512xi32, #tpu.memory_space<vmem>>, vector<16xi32>,
      %get3A_17 = vector.shape_cast %get3A_16 : vector<16xi32> to vector<16xi32>
      %slice3A = vector.extract_strided_slice %get3A_17 {offsets = [0], sizes = [1], strides = [1]} : vector<16xi32> to vector<1xi32>
      %squeeze3A = vector.extract %slice3A[0] : i32 from vector<1xi32>
      %mul3A_18 = arith.constant 16 : i32
      %mul3A_19 = arith.muli %scan3A_13, %mul3A_18 : i32
      %add3A_20 = arith.constant 0 : i32
      %add3A_21 = arith.addi %mul3A_19, %add3A_20 : i32
      %dma_start3A = arith.constant 0 : i32
      %dma_start3A_22 = tpu.memref_slice %arg6[%add3A_21, %dma_start3A] : memref<512x64xf32, #tpu.memory_space<vmem>> -> memref<1x64xf32, #tpu.memory_space<vmem>>
      %dma_start3A_23 = arith.constant 0 : i32
      %dma_start3A_24 = tpu.memref_slice %arg3[%squeeze3A, %dma_start3A_23] : memref<100000x64xf32, #tpu.memory_space<hbm>> -> memref<1x64xf32, #tpu.memory_space<hbm>>
      %dma_start3A_25 = arith.constant 0 : i32
      %dma_start3A_26 = tpu.memref_slice %arg6[%add3A_21, %dma_start3A_25] : memref<512x64xf32, #tpu.memory_space<vmem>> -> memref<1x64xf32, #tpu.memory_space<vmem>>
      %dma_start3A_27 = arith.constant 0 : i32
      %dma_start3A_28 = tpu.memref_slice %arg3[%squeeze3A, %dma_start3A_27] : memref<100000x64xf32, #tpu.memory_space<hbm>> -> memref<1x64xf32, #tpu.memory_space<hbm>>
      tpu.enqueue_dma source(%dma_start3A_28 : memref<1x64xf32, #tpu.memory_space<hbm>>) target(%dma_start3A_26 : memref<1x64xf32, #tpu.memory_space<vmem>>) target_semaphore(%arg7 : memref<!tpu.dma_semaphore, #tpu.memory_space<semaphore_mem>>)
      %slice3A_29 = vector.extract_strided_slice %get3A_17 {offsets = [1], sizes = [1], strides = [1]} : vector<16xi32> to vector<1xi32>
      %squeeze3A_30 = vector.extract %slice3A_29[0] : i32 from vector<1xi32>
      %mul3A_31 = arith.constant 16 : i32
      %mul3A_32 = arith.muli %scan3A_13, %mul3A_31 : i32
      %add3A_33 = arith.constant 1 : i32
      %add3A_34 = arith.addi %mul3A_32, %add3A_33 : i32
      %dma_start3A_35 = arith.constant 0 : i32
      %dma_start3A_36 = tpu.memref_slice %arg6[%add3A_34, %dma_start3A_35] : memref<512x64xf32, #tpu.memory_space<vmem>> -> memref<1x64xf32, #tpu.memory_space<vmem>>
      %dma_start3A_37 = arith.constant 0 : i32
      %dma_start3A_38 = tpu.memref_slice %arg3[%squeeze3A_30, %dma_start3A_37] : memref<100000x64xf32, #tpu.memory_space<hbm>> -> memref<1x64xf32, #tpu.memory_space<hbm>>
      %dma_start3A_39 = arith.constant 0 : i32
      %dma_start3A_40 = tpu.memref_slice %arg6[%add3A_34, %dma_start3A_39] : memref<512x64xf32, #tpu.memory_space<vmem>> -> memref<1x64xf32, #tpu.memory_space<vmem>>
      %dma_start3A_41 = arith.constant 0 : i32
      %dma_start3A_42 = tpu.memref_slice %arg3[%squeeze3A_30, %dma_start3A_41] : memref<100000x64xf32, #tpu.memory_space<hbm>> -> memref<1x64xf32, #tpu.memory_space<hbm>>
      tpu.enqueue_dma source(%dma_start3A_42 : memref<1x64xf32, #tpu.memory_space<hbm>>) target(%dma_start3A_40 : memref<1x64xf32, #tpu.memory_space<vmem>>) target_semaphore(%arg7 : memref<!tpu.dma_semaphore, #tpu.memory_space<semaphore_mem>>)
      %slice3A_43 = vector.extract_strided_slice %get3A_17 {offsets = [2], sizes = [1], strides = [1]} : vector<16xi32> to vector<1xi32>
      %squeeze3A_44 = vector.extract %slice3A_43[0] : i32 from vector<1xi32>
      %mul3A_45 = arith.constant 16 : i32
      %mul3A_46 = arith.muli %scan3A_13, %mul3A_45 : i32
      %add3A_47 = arith.constant 2 : i32
      %add3A_48 = arith.addi %mul3A_46, %add3A_47 : i32
      %dma_start3A_49 = arith.constant 0 : i32
      %dma_start3A_50 = tpu.memref_slice %arg6[%add3A_48, %dma_start3A_49] : memref<512x64xf32, #tpu.memory_space<vmem>> -> memref<1x64xf32, #tpu.memory_space<vmem>>
      %dma_start3A_51 = arith.constant 0 : i32
      %dma_start3A_52 = tpu.memref_slice %arg3[%squeeze3A_44, %dma_start3A_51] : memref<100000x64xf32, #tpu.memory_space<hbm>> -> memref<1x64xf32, #tpu.memory_space<hbm>>
      %dma_start3A_53 = arith.constant 0 : i32
      %dma_start3A_54 = tpu.memref_slice %arg6[%add3A_48, %dma_start3A_53] : memref<512x64xf32, #tpu.memory_space<vmem>> -> memref<1x64xf32, #tpu.memory_space<vmem>>
      %dma_start3A_55 = arith.constant 0 : i32
      %dma_start3A_56 = tpu.memref_slice %arg3[%squeeze3A_44, %dma_start3A_55] : memref<100000x64xf32, #tpu.memory_space<hbm>> -> memref<1x64xf32, #tpu.memory_space<hbm>>
      tpu.enqueue_dma source(%dma_start3A_56 : memref<1x64xf32, #tpu.memory_space<hbm>>) target(%dma_start3A_54 : memref<1x64xf32, #tpu.memory_space<vmem>>) target_semaphore(%arg7 : memref<!tpu.dma_semaphore, #tpu.memory_space<semaphore_mem>>)
      %slice3A_57 = vector.extract_strided_slice %get3A_17 {offsets = [3], sizes = [1], strides = [1]} : vector<16xi32> to vector<1xi32>
      %squeeze3A_58 = vector.extract %slice3A_57[0] : i32 from vector<1xi32>
      %mul3A_59 = arith.constant 16 : i32
      %mul3A_60 = arith.muli %scan3A_13, %mul3A_59 : i32
      %add3A_61 = arith.constant 3 : i32
      %add3A_62 = arith.addi %mul3A_60, %add3A_61 : i32
      %dma_start3A_63 = arith.constant 0 : i32
      %dma_start3A_64 = tpu.memref_slice %arg6[%add3A_62, %dma_start3A_63] : memref<512x64xf32, #tpu.memory_space<vmem>> -> memref<1x64xf32, #tpu.memory_space<vmem>>
      %dma_start3A_65 = arith.constant 0 : i32
      %dma_start3A_66 = tpu.memref_slice %arg3[%squeeze3A_58, %dma_start3A_65] : memref<100000x64xf32, #tpu.memory_space<hbm>> -> memref<1x64xf32, #tpu.memory_space<hbm>>
      %dma_start3A_67 = arith.constant 0 : i32
      %dma_start3A_68 = tpu.memref_slice %arg6[%add3A_62, %dma_start3A_67] : memref<512x64xf32, #tpu.memory_space<vmem>> -> memref<1x64xf32, #tpu.memory_space<vmem>>
      %dma_start3A_69 = arith.constant 0 : i32
      %dma_start3A_70 = tpu.memref_slice %arg3[%squeeze3A_58, %dma_start3A_69] : memref<100000x64xf32, #tpu.memory_space<hbm>> -> memref<1x64xf32, #tpu.memory_space<hbm>>
      tpu.enqueue_dma source(%dma_start3A_70 : memref<1x64xf32, #tpu.memory_space<hbm>>) target(%dma_start3A_68 : memref<1x64xf32, #tpu.memory_space<vmem>>) target_semaphore(%arg7 : memref<!tpu.dma_semaphore, #tpu.memory_space<semaphore_mem>>)
      %slice3A_71 = vector.extract_strided_slice %get3A_17 {offsets = [4], sizes = [1], strides = [1]} : vector<16xi32> to vector<1xi32>
      %squeeze3A_72 = vector.extract %slice3A_71[0] : i32 from vector<1xi32>
      %mul3A_73 = arith.constant 16 : i32
      %mul3A_74 = arith.muli %scan3A_13, %mul3A_73 : i32
      %add3A_75 = arith.constant 4 : i32
      %add3A_76 = arith.addi %mul3A_74, %add3A_75 : i32
      %dma_start3A_77 = arith.constant 0 : i32
      %dma_start3A_78 = tpu.memref_slice %arg6[%add3A_76, %dma_start3A_77] : memref<512x64xf32, #tpu.memory_space<vmem>> -> memref<1x64xf32, #tpu.memory_space<vmem>>
      %dma_start3A_79 = arith.constant 0 : i32
      %dma_start3A_80 = tpu.memref_slice %arg3[%squeeze3A_72, %dma_start3A_79] : memref<100000x64xf32, #tpu.memory_space<hbm>> -> memref<1x64xf32, #tpu.memory_space<hbm>>
      %dma_start3A_81 = arith.constant 0 : i32
      %dma_start3A_82 = tpu.memref_slice %arg6[%add3A_76, %dma_start3A_81] : memref<512x64xf32, #tpu.memory_space<vmem>> -> memref<1x64xf32, #tpu.memory_space<vmem>>
      %dma_start3A_83 = arith.constant 0 : i32
      %dma_start3A_84 = tpu.memref_slice %arg3[%squeeze3A_72, %dma_start3A_83] : memref<100000x64xf32, #tpu.memory_space<hbm>> -> memref<1x64xf32, #tpu.memory_space<hbm>>
      tpu.enqueue_dma source(%dma_start3A_84 : memref<1x64xf32, #tpu.memory_space<hbm>>) target(%dma_start3A_82 : memref<1x64xf32, #tpu.memory_space<vmem>>) target_semaphore(%arg7 : memref<!tpu.dma_semaphore, #tpu.memory_space<semaphore_mem>>)
      %slice3A_85 = vector.extract_strided_slice %get3A_17 {offsets = [5], sizes = [1], strides = [1]} : vector<16xi32> to vector<1xi32>
      %squeeze3A_86 = vector.extract %slice3A_85[0] : i32 from vector<1xi32>
      %mul3A_87 = arith.constant 16 : i32
      %mul3A_88 = arith.muli %scan3A_13, %mul3A_87 : i32
      %add3A_89 = arith.constant 5 : i32
      %add3A_90 = arith.addi %mul3A_88, %add3A_89 : i32
      %dma_start3A_91 = arith.constant 0 : i32
      %dma_start3A_92 = tpu.memref_slice %arg6[%add3A_90, %dma_start3A_91] : memref<512x64xf32, #tpu.memory_space<vmem>> -> memref<1x64xf32, #tpu.memory_space<vmem>>
      %dma_start3A_93 = arith.constant 0 : i32
      %dma_start3A_94 = tpu.memref_slice %arg3[%squeeze3A_86, %dma_start3A_93] : memref<100000x64xf32, #tpu.memory_space<hbm>> -> memref<1x64xf32, #tpu.memory_space<hbm>>
      %dma_start3A_95 = arith.constant 0 : i32
      %dma_start3A_96 = tpu.memref_slice %arg6[%add3A_90, %dma_start3A_95] : memref<512x64xf32, #tpu.memory_space<vmem>> -> memref<1x64xf32, #tpu.memory_space<vmem>>
      %dma_start3A_97 = arith.constant 0 : i32
      %dma_start3A_98 = tpu.memref_slice %arg3[%squeeze3A_86, %dma_start3A_97] : memref<100000x64xf32, #tpu.memory_space<hbm>> -> memref<1x64xf32, #tpu.memory_space<hbm>>
      tpu.enqueue_dma source(%dma_start3A_98 : memref<1x64xf32, #tpu.memory_space<hbm>>) target(%dma_start3A_96 : memref<1x64xf32, #tpu.memory_space<vmem>>) target_semaphore(%arg7 : memref<!tpu.dma_semaphore, #tpu.memory_space<semaphore_mem>>)
      %slice3A_99 = vector.extract_strided_slice %get3A_17 {offsets = [6], sizes = [1], strides = [1]} : vector<16xi32> to vector<1xi32>
      %squeeze3A_100 = vector.extract %slice3A_99[0] : i32 from vector<1xi32>
      %mul3A_101 = arith.constant 16 : i32
      %mul3A_102 = arith.muli %scan3A_13, %mul3A_101 : i32
      %add3A_103 = arith.constant 6 : i32
      %add3A_104 = arith.addi %mul3A_102, %add3A_103 : i32
      %dma_start3A_105 = arith.constant 0 : i32
      %dma_start3A_106 = tpu.memref_slice %arg6[%add3A_104, %dma_start3A_105] : memref<512x64xf32, #tpu.memory_space<vmem>> -> memref<1x64xf32, #tpu.memory_space<vmem>>
      %dma_start3A_107 = arith.constant 0 : i32
      %dma_start3A_108 = tpu.memref_slice %arg3[%squeeze3A_100, %dma_start3A_107] : memref<100000x64xf32, #tpu.memory_space<hbm>> -> memref<1x64xf32, #tpu.memory_space<hbm>>
      %dma_start3A_109 = arith.constant 0 : i32
      %dma_start3A_110 = tpu.memref_slice %arg6[%add3A_104, %dma_start3A_109] : memref<512x64xf32, #tpu.memory_space<vmem>> -> memref<1x64xf32, #tpu.memory_space<vmem>>
      %dma_start3A_111 = arith.constant 0 : i32
      %dma_start3A_112 = tpu.memref_slice %arg3[%squeeze3A_100, %dma_start3A_111] : memref<100000x64xf32, #tpu.memory_space<hbm>> -> memref<1x64xf32, #tpu.memory_space<hbm>>
      tpu.enqueue_dma source(%dma_start3A_112 : memref<1x64xf32, #tpu.memory_space<hbm>>) target(%dma_start3A_110 : memref<1x64xf32, #tpu.memory_space<vmem>>) target_semaphore(%arg7 : memref<!tpu.dma_semaphore, #tpu.memory_space<semaphore_mem>>)
      %slice3A_113 = vector.extract_strided_slice %get3A_17 {offsets = [7], sizes = [1], strides = [1]} : vector<16xi32> to vector<1xi32>
      %squeeze3A_114 = vector.extract %slice3A_113[0] : i32 from vector<1xi32>
      %mul3A_115 = arith.constant 16 : i32
      %mul3A_116 = arith.muli %scan3A_13, %mul3A_115 : i32
      %add3A_117 = arith.constant 7 : i32
      %add3A_118 = arith.addi %mul3A_116, %add3A_117 : i32
      %dma_start3A_119 = arith.constant 0 : i32
      %dma_start3A_120 = tpu.memref_slice %arg6[%add3A_118, %dma_start3A_119] : memref<512x64xf32, #tpu.memory_space<vmem>> -> memref<1x64xf32, #tpu.memory_space<vmem>>
      %dma_start3A_121 = arith.constant 0 : i32
      %dma_start3A_122 = tpu.memref_slice %arg3[%squeeze3A_114, %dma_start3A_121] : memref<100000x64xf32, #tpu.memory_space<hbm>> -> memref<1x64xf32, #tpu.memory_space<hbm>>
      %dma_start3A_123 = arith.constant 0 : i32
      %dma_start3A_124 = tpu.memref_slice %arg6[%add3A_118, %dma_start3A_123] : memref<512x64xf32, #tpu.memory_space<vmem>> -> memref<1x64xf32, #tpu.memory_space<vmem>>
      %dma_start3A_125 = arith.constant 0 : i32
      %dma_start3A_126 = tpu.memref_slice %arg3[%squeeze3A_114, %dma_start3A_125] : memref<100000x64xf32, #tpu.memory_space<hbm>> -> memref<1x64xf32, #tpu.memory_space<hbm>>
      tpu.enqueue_dma source(%dma_start3A_126 : memref<1x64xf32, #tpu.memory_space<hbm>>) target(%dma_start3A_124 : memref<1x64xf32, #tpu.memory_space<vmem>>) target_semaphore(%arg7 : memref<!tpu.dma_semaphore, #tpu.memory_space<semaphore_mem>>)
      %slice3A_127 = vector.extract_strided_slice %get3A_17 {offsets = [8], sizes = [1], strides = [1]} : vector<16xi32> to vector<1xi32>
      %squeeze3A_128 = vector.extract %slice3A_127[0] : i32 from vector<1xi32>
      %mul3A_129 = arith.constant 16 : i32
      %mul3A_130 = arith.muli %scan3A_13, %mul3A_129 : i32
      %add3A_131 = arith.constant 8 : i32
      %add3A_132 = arith.addi %mul3A_130, %add3A_131 : i32
      %dma_start3A_133 = arith.constant 0 : i32
      %dma_start3A_134 = tpu.memref_slice %arg6[%add3A_132, %dma_start3A_133] : memref<512x64xf32, #tpu.memory_space<vmem>> -> memref<1x64xf32, #tpu.memory_space<vmem>>
      %dma_start3A_135 = arith.constant 0 : i32
      %dma_start3A_136 = tpu.memref_slice %arg3[%squeeze3A_128, %dma_start3A_135] : memref<100000x64xf32, #tpu.memory_space<hbm>> -> memref<1x64xf32, #tpu.memory_space<hbm>>
      %dma_start3A_137 = arith.constant 0 : i32
      %dma_start3A_138 = tpu.memref_slice %arg6[%add3A_132, %dma_start3A_137] : memref<512x64xf32, #tpu.memory_space<vmem>> -> memref<1x64xf32, #tpu.memory_space<vmem>>
      %dma_start3A_139 = arith.constant 0 : i32
      %dma_start3A_140 = tpu.memref_slice %arg3[%squeeze3A_128, %dma_start3A_139] : memref<100000x64xf32, #tpu.memory_space<hbm>> -> memref<1x64xf32, #tpu.memory_space<hbm>>
      tpu.enqueue_dma source(%dma_start3A_140 : memref<1x64xf32, #tpu.memory_space<hbm>>) target(%dma_start3A_138 : memref<1x64xf32, #tpu.memory_space<vmem>>) target_semaphore(%arg7 : memref<!tpu.dma_semaphore, #tpu.memory_space<semaphore_mem>>)
      %slice3A_141 = vector.extract_strided_slice %get3A_17 {offsets = [9], sizes = [1], strides = [1]} : vector<16xi32> to vector<1xi32>
      %squeeze3A_142 = vector.extract %slice3A_141[0] : i32 from vector<1xi32>
      %mul3A_143 = arith.constant 16 : i32
      %mul3A_144 = arith.muli %scan3A_13, %mul3A_143 : i32
      %add3A_145 = arith.constant 9 : i32
      %add3A_146 = arith.addi %mul3A_144, %add3A_145 : i32
      %dma_start3A_147 = arith.constant 0 : i32
      %dma_start3A_148 = tpu.memref_slice %arg6[%add3A_146, %dma_start3A_147] : memref<512x64xf32, #tpu.memory_space<vmem>> -> memref<1x64xf32, #tpu.memory_space<vmem>>
      %dma_start3A_149 = arith.constant 0 : i32
      %dma_start3A_150 = tpu.memref_slice %arg3[%squeeze3A_142, %dma_start3A_149] : memref<100000x64xf32, #tpu.memory_space<hbm>> -> memref<1x64xf32, #tpu.memory_space<hbm>>
      %dma_start3A_151 = arith.constant 0 : i32
      %dma_start3A_152 = tpu.memref_slice %arg6[%add3A_146, %dma_start3A_151] : memref<512x64xf32, #tpu.memory_space<vmem>> -> memref<1x64xf32, #tpu.memory_space<vmem>>
      %dma_start3A_153 = arith.constant 0 : i32
      %dma_start3A_154 = tpu.memref_slice %arg3[%squeeze3A_142, %dma_start3A_153] : memref<100000x64xf32, #tpu.memory_space<hbm>> -> memref<1x64xf32, #tpu.memory_space<hbm>>
      tpu.enqueue_dma source(%dma_start3A_154 : memref<1x64xf32, #tpu.memory_space<hbm>>) target(%dma_start3A_152 : memref<1x64xf32, #tpu.memory_space<vmem>>) target_semaphore(%arg7 : memref<!tpu.dma_semaphore, #tpu.memory_space<semaphore_mem>>)
      %slice3A_155 = vector.extract_strided_slice %get3A_17 {offsets = [10], sizes = [1], strides = [1]} : vector<16xi32> to vector<1xi32>
      %squeeze3A_156 = vector.extract %slice3A_155[0] : i32 from vector<1xi32>
      %mul3A_157 = arith.constant 16 : i32
      %mul3A_158 = arith.muli %scan3A_13, %mul3A_157 : i32
      %add3A_159 = arith.constant 10 : i32
      %add3A_160 = arith.addi %mul3A_158, %add3A_159 : i32
      %dma_start3A_161 = arith.constant 0 : i32
      %dma_start3A_162 = tpu.memref_slice %arg6[%add3A_160, %dma_start3A_161] : memref<512x64xf32, #tpu.memory_space<vmem>> -> memref<1x64xf32, #tpu.memory_space<vmem>>
      %dma_start3A_163 = arith.constant 0 : i32
      %dma_start3A_164 = tpu.memref_slice %arg3[%squeeze3A_156, %dma_start3A_163] : memref<100000x64xf32, #tpu.memory_space<hbm>> -> memref<1x64xf32, #tpu.memory_space<hbm>>
      %dma_start3A_165 = arith.constant 0 : i32
      %dma_start3A_166 = tpu.memref_slice %arg6[%add3A_160, %dma_start3A_165] : memref<512x64xf32, #tpu.memory_space<vmem>> -> memref<1x64xf32, #tpu.memory_space<vmem>>
      %dma_start3A_167 = arith.constant 0 : i32
      %dma_start3A_168 = tpu.memref_slice %arg3[%squeeze3A_156, %dma_start3A_167] : memref<100000x64xf32, #tpu.memory_space<hbm>> -> memref<1x64xf32, #tpu.memory_space<hbm>>
      tpu.enqueue_dma source(%dma_start3A_168 : memref<1x64xf32, #tpu.memory_space<hbm>>) target(%dma_start3A_166 : memref<1x64xf32, #tpu.memory_space<vmem>>) target_semaphore(%arg7 : memref<!tpu.dma_semaphore, #tpu.memory_space<semaphore_mem>>)
      %slice3A_169 = vector.extract_strided_slice %get3A_17 {offsets = [11], sizes = [1], strides = [1]} : vector<16xi32> to vector<1xi32>
      %squeeze3A_170 = vector.extract %slice3A_169[0] : i32 from vector<1xi32>
      %mul3A_171 = arith.constant 16 : i32
      %mul3A_172 = arith.muli %scan3A_13, %mul3A_171 : i32
      %add3A_173 = arith.constant 11 : i32
      %add3A_174 = arith.addi %mul3A_172, %add3A_173 : i32
      %dma_start3A_175 = arith.constant 0 : i32
      %dma_start3A_176 = tpu.memref_slice %arg6[%add3A_174, %dma_start3A_175] : memref<512x64xf32, #tpu.memory_space<vmem>> -> memref<1x64xf32, #tpu.memory_space<vmem>>
      %dma_start3A_177 = arith.constant 0 : i32
      %dma_start3A_178 = tpu.memref_slice %arg3[%squeeze3A_170, %dma_start3A_177] : memref<100000x64xf32, #tpu.memory_space<hbm>> -> memref<1x64xf32, #tpu.memory_space<hbm>>
      %dma_start3A_179 = arith.constant 0 : i32
      %dma_start3A_180 = tpu.memref_slice %arg6[%add3A_174, %dma_start3A_179] : memref<512x64xf32, #tpu.memory_space<vmem>> -> memref<1x64xf32, #tpu.memory_space<vmem>>
      %dma_start3A_181 = arith.constant 0 : i32
      %dma_start3A_182 = tpu.memref_slice %arg3[%squeeze3A_170, %dma_start3A_181] : memref<100000x64xf32, #tpu.memory_space<hbm>> -> memref<1x64xf32, #tpu.memory_space<hbm>>
      tpu.enqueue_dma source(%dma_start3A_182 : memref<1x64xf32, #tpu.memory_space<hbm>>) target(%dma_start3A_180 : memref<1x64xf32, #tpu.memory_space<vmem>>) target_semaphore(%arg7 : memref<!tpu.dma_semaphore, #tpu.memory_space<semaphore_mem>>)
      %slice3A_183 = vector.extract_strided_slice %get3A_17 {offsets = [12], sizes = [1], strides = [1]} : vector<16xi32> to vector<1xi32>
      %squeeze3A_184 = vector.extract %slice3A_183[0] : i32 from vector<1xi32>
      %mul3A_185 = arith.constant 16 : i32
      %mul3A_186 = arith.muli %scan3A_13, %mul3A_185 : i32
      %add3A_187 = arith.constant 12 : i32
      %add3A_188 = arith.addi %mul3A_186, %add3A_187 : i32
      %dma_start3A_189 = arith.constant 0 : i32
      %dma_start3A_190 = tpu.memref_slice %arg6[%add3A_188, %dma_start3A_189] : memref<512x64xf32, #tpu.memory_space<vmem>> -> memref<1x64xf32, #tpu.memory_space<vmem>>
      %dma_start3A_191 = arith.constant 0 : i32
      %dma_start3A_192 = tpu.memref_slice %arg3[%squeeze3A_184, %dma_start3A_191] : memref<100000x64xf32, #tpu.memory_space<hbm>> -> memref<1x64xf32, #tpu.memory_space<hbm>>
      %dma_start3A_193 = arith.constant 0 : i32
      %dma_start3A_194 = tpu.memref_slice %arg6[%add3A_188, %dma_start3A_193] : memref<512x64xf32, #tpu.memory_space<vmem>> -> memref<1x64xf32, #tpu.memory_space<vmem>>
      %dma_start3A_195 = arith.constant 0 : i32
      %dma_start3A_196 = tpu.memref_slice %arg3[%squeeze3A_184, %dma_start3A_195] : memref<100000x64xf32, #tpu.memory_space<hbm>> -> memref<1x64xf32, #tpu.memory_space<hbm>>
      tpu.enqueue_dma source(%dma_start3A_196 : memref<1x64xf32, #tpu.memory_space<hbm>>) target(%dma_start3A_194 : memref<1x64xf32, #tpu.memory_space<vmem>>) target_semaphore(%arg7 : memref<!tpu.dma_semaphore, #tpu.memory_space<semaphore_mem>>)
      %slice3A_197 = vector.extract_strided_slice %get3A_17 {offsets = [13], sizes = [1], strides = [1]} : vector<16xi32> to vector<1xi32>
      %squeeze3A_198 = vector.extract %slice3A_197[0] : i32 from vector<1xi32>
      %mul3A_199 = arith.constant 16 : i32
      %mul3A_200 = arith.muli %scan3A_13, %mul3A_199 : i32
      %add3A_201 = arith.constant 13 : i32
      %add3A_202 = arith.addi %mul3A_200, %add3A_201 : i32
      %dma_start3A_203 = arith.constant 0 : i32
      %dma_start3A_204 = tpu.memref_slice %arg6[%add3A_202, %dma_start3A_203] : memref<512x64xf32, #tpu.memory_space<vmem>> -> memref<1x64xf32, #tpu.memory_space<vmem>>
      %dma_start3A_205 = arith.constant 0 : i32
      %dma_start3A_206 = tpu.memref_slice %arg3[%squeeze3A_198, %dma_start3A_205] : memref<100000x64xf32, #tpu.memory_space<hbm>> -> memref<1x64xf32, #tpu.memory_space<hbm>>
      %dma_start3A_207 = arith.constant 0 : i32
      %dma_start3A_208 = tpu.memref_slice %arg6[%add3A_202, %dma_start3A_207] : memref<512x64xf32, #tpu.memory_space<vmem>> -> memref<1x64xf32, #tpu.memory_space<vmem>>
      %dma_start3A_209 = arith.constant 0 : i32
      %dma_start3A_210 = tpu.memref_slice %arg3[%squeeze3A_198, %dma_start3A_209] : memref<100000x64xf32, #tpu.memory_space<hbm>> -> memref<1x64xf32, #tpu.memory_space<hbm>>
      tpu.enqueue_dma source(%dma_start3A_210 : memref<1x64xf32, #tpu.memory_space<hbm>>) target(%dma_start3A_208 : memref<1x64xf32, #tpu.memory_space<vmem>>) target_semaphore(%arg7 : memref<!tpu.dma_semaphore, #tpu.memory_space<semaphore_mem>>)
      %slice3A_211 = vector.extract_strided_slice %get3A_17 {offsets = [14], sizes = [1], strides = [1]} : vector<16xi32> to vector<1xi32>
      %squeeze3A_212 = vector.extract %slice3A_211[0] : i32 from vector<1xi32>
      %mul3A_213 = arith.constant 16 : i32
      %mul3A_214 = arith.muli %scan3A_13, %mul3A_213 : i32
      %add3A_215 = arith.constant 14 : i32
      %add3A_216 = arith.addi %mul3A_214, %add3A_215 : i32
      %dma_start3A_217 = arith.constant 0 : i32
      %dma_start3A_218 = tpu.memref_slice %arg6[%add3A_216, %dma_start3A_217] : memref<512x64xf32, #tpu.memory_space<vmem>> -> memref<1x64xf32, #tpu.memory_space<vmem>>
      %dma_start3A_219 = arith.constant 0 : i32
      %dma_start3A_220 = tpu.memref_slice %arg3[%squeeze3A_212, %dma_start3A_219] : memref<100000x64xf32, #tpu.memory_space<hbm>> -> memref<1x64xf32, #tpu.memory_space<hbm>>
      %dma_start3A_221 = arith.constant 0 : i32
      %dma_start3A_222 = tpu.memref_slice %arg6[%add3A_216, %dma_start3A_221] : memref<512x64xf32, #tpu.memory_space<vmem>> -> memref<1x64xf32, #tpu.memory_space<vmem>>
      %dma_start3A_223 = arith.constant 0 : i32
      %dma_start3A_224 = tpu.memref_slice %arg3[%squeeze3A_212, %dma_start3A_223] : memref<100000x64xf32, #tpu.memory_space<hbm>> -> memref<1x64xf32, #tpu.memory_space<hbm>>
      tpu.enqueue_dma source(%dma_start3A_224 : memref<1x64xf32, #tpu.memory_space<hbm>>) target(%dma_start3A_222 : memref<1x64xf32, #tpu.memory_space<vmem>>) target_semaphore(%arg7 : memref<!tpu.dma_semaphore, #tpu.memory_space<semaphore_mem>>)
      %slice3A_225 = vector.extract_strided_slice %get3A_17 {offsets = [15], sizes = [1], strides = [1]} : vector<16xi32> to vector<1xi32>
      %squeeze3A_226 = vector.extract %slice3A_225[0] : i32 from vector<1xi32>
      %mul3A_227 = arith.constant 16 : i32
      %mul3A_228 = arith.muli %scan3A_13, %mul3A_227 : i32
      %add3A_229 = arith.constant 15 : i32
      %add3A_230 = arith.addi %mul3A_228, %add3A_229 : i32
      %dma_start3A_231 = arith.constant 0 : i32
      %dma_start3A_232 = tpu.memref_slice %arg6[%add3A_230, %dma_start3A_231] : memref<512x64xf32, #tpu.memory_space<vmem>> -> memref<1x64xf32, #tpu.memory_space<vmem>>
      %dma_start3A_233 = arith.constant 0 : i32
      %dma_start3A_234 = tpu.memref_slice %arg3[%squeeze3A_226, %dma_start3A_233] : memref<100000x64xf32, #tpu.memory_space<hbm>> -> memref<1x64xf32, #tpu.memory_space<hbm>>
      %dma_start3A_235 = arith.constant 0 : i32
      %dma_start3A_236 = tpu.memref_slice %arg6[%add3A_230, %dma_start3A_235] : memref<512x64xf32, #tpu.memory_space<vmem>> -> memref<1x64xf32, #tpu.memory_space<vmem>>
      %dma_start3A_237 = arith.constant 0 : i32
      %dma_start3A_238 = tpu.memref_slice %arg3[%squeeze3A_226, %dma_start3A_237] : memref<100000x64xf32, #tpu.memory_space<hbm>> -> memref<1x64xf32, #tpu.memory_space<hbm>>
      tpu.enqueue_dma source(%dma_start3A_238 : memref<1x64xf32, #tpu.memory_space<hbm>>) target(%dma_start3A_236 : memref<1x64xf32, #tpu.memory_space<vmem>>) target_semaphore(%arg7 : memref<!tpu.dma_semaphore, #tpu.memory_space<semaphore_mem>>)
    }
    %scan3A_7 = arith.constant 32 : i32
    %dma_wait3A = arith.constant 0 : i32
    %dma_wait3A_8 = arith.constant 0 : i32
    %dma_wait3A_9 = tpu.memref_slice %arg3[%dma_wait3A, %dma_wait3A_8] : memref<100000x64xf32, #tpu.memory_space<hbm>> -> memref<512x64xf32, #tpu.memory_space<hbm>>
    %dma_wait3A_10 = arith.constant 0 : i32
    %dma_wait3A_11 = arith.constant 0 : i32
    %dma_wait3A_12 = tpu.memref_slice %arg3[%dma_wait3A_10, %dma_wait3A_11] : memref<100000x64xf32, #tpu.memory_space<hbm>> -> memref<512x64xf32, #tpu.memory_space<hbm>>
    tpu.wait_dma2 semaphore(%arg7 : memref<!tpu.dma_semaphore, #tpu.memory_space<semaphore_mem>>) src(%dma_wait3A_12 : memref<512x64xf32, #tpu.memory_space<hbm>>) dst(%arg6 : memref<512x64xf32, #tpu.memory_space<vmem>>)
    "tpu.region"() ({
      %run_scoped3A = tpu.sem_alloc : memref<!tpu.dma_semaphore, #tpu.memory_space<semaphore_mem>>
      %dma_start3A = arith.constant 0 : i32
      %dma_start3A_13 = tpu.memref_slice %arg4[%mul3A_2, %dma_start3A] : memref<16384x64xf32, #tpu.memory_space<hbm>> -> memref<512x64xf32, #tpu.memory_space<hbm>>
      %dma_start3A_14 = arith.constant 0 : i32
      %dma_start3A_15 = tpu.memref_slice %arg4[%mul3A_2, %dma_start3A_14] : memref<16384x64xf32, #tpu.memory_space<hbm>> -> memref<512x64xf32, #tpu.memory_space<hbm>>
      tpu.enqueue_dma source(%arg6 : memref<512x64xf32, #tpu.memory_space<vmem>>) target(%dma_start3A_15 : memref<512x64xf32, #tpu.memory_space<hbm>>) target_semaphore(%run_scoped3A : memref<!tpu.dma_semaphore, #tpu.memory_space<semaphore_mem>>)
      %dma_wait3A_16 = arith.constant 0 : i32
      %dma_wait3A_17 = tpu.memref_slice %arg4[%mul3A_2, %dma_wait3A_16] : memref<16384x64xf32, #tpu.memory_space<hbm>> -> memref<512x64xf32, #tpu.memory_space<hbm>>
      %dma_wait3A_18 = arith.constant 0 : i32
      %dma_wait3A_19 = tpu.memref_slice %arg4[%mul3A_2, %dma_wait3A_18] : memref<16384x64xf32, #tpu.memory_space<hbm>> -> memref<512x64xf32, #tpu.memory_space<hbm>>
      tpu.wait_dma2 semaphore(%run_scoped3A : memref<!tpu.dma_semaphore, #tpu.memory_space<semaphore_mem>>) src(%arg6 : memref<512x64xf32, #tpu.memory_space<vmem>>) dst(%dma_wait3A_19 : memref<512x64xf32, #tpu.memory_space<hbm>>)
      tpu.yield
    }) : () -> ()
    return
  }
}

module attributes {stable_mosaic.version = 14 : i64} {
  func.func @_mlp_body(%arg0: memref<16384x64xf32, #tpu.memory_space<vmem>>, %arg1: memref<16384x64xf32, #tpu.memory_space<vmem>>, %arg2: memref<64x64xf32, #tpu.memory_space<vmem>>, %arg3: memref<64x64xf32, #tpu.memory_space<vmem>>, %arg4: memref<1x64xf32, #tpu.memory_space<vmem>>, %arg5: memref<1x64xf32, #tpu.memory_space<vmem>>, %arg6: memref<32x64xf32, #tpu.memory_space<vmem>>, %arg7: memref<1x32xf32, #tpu.memory_space<vmem>>, %arg8: memref<1x32xf32, #tpu.memory_space<vmem>>, %arg9: memref<16x32xf32, #tpu.memory_space<vmem>>, %arg10: memref<1x16xf32, #tpu.memory_space<vmem>>, %arg11: memref<1x16xf32, #tpu.memory_space<vmem>>, %arg12: memref<8x16xf32, #tpu.memory_space<vmem>>, %arg13: memref<1x8xf32, #tpu.memory_space<vmem>>, %arg14: memref<1x8xf32, #tpu.memory_space<vmem>>, %arg15: memref<8x8xf32, #tpu.memory_space<vmem>>, %arg16: memref<1x1xf32, #tpu.memory_space<vmem>>, %arg17: memref<16384x1xf32, #tpu.memory_space<vmem>>) attributes {dimension_semantics = [], scalar_prefetch = 0 : i64, scratch_operands = 0 : i64, tpu.core_type = #tpu.core_type<tc>} {
    %broadcast_in_dim3A = arith.constant 1.000000e+00 : f32
    %broadcast_in_dim3A_0 = vector.broadcast %broadcast_in_dim3A : f32 to vector<1x16384xf32>
    %get3A = arith.constant 0 : index
    %get3A_1 = arith.constant 0 : index
    %get3A_2 = vector.load %arg0[%get3A, %get3A_1] : memref<16384x64xf32, #tpu.memory_space<vmem>>, vector<16384x64xf32>
    %get3A_3 = arith.constant 0 : index
    %get3A_4 = arith.constant 0 : index
    %get3A_5 = vector.load %arg2[%get3A_3, %get3A_4] : memref<64x64xf32, #tpu.memory_space<vmem>>, vector<64x64xf32>
    %dot_general3A = arith.constant dense<0.000000e+00> : vector<16384x64xf32>
    %dot_general3A_6 = tpu.matmul %get3A_2, %get3A_5, %dot_general3A {dimension_numbers = #tpu.dot_dimension_numbers<[1], [1], [0], [0], [0, 0, 1, 0], [], []>, transpose_lhs_hint = false} : vector<16384x64xf32>, vector<64x64xf32>, vector<16384x64xf32> -> vector<16384x64xf32>
    %get3A_7 = arith.constant 0 : index
    %get3A_8 = arith.constant 0 : index
    %get3A_9 = vector.load %arg1[%get3A_7, %get3A_8] : memref<16384x64xf32, #tpu.memory_space<vmem>>, vector<16384x64xf32>
    %get3A_10 = arith.constant 0 : index
    %get3A_11 = arith.constant 0 : index
    %get3A_12 = vector.load %arg3[%get3A_10, %get3A_11] : memref<64x64xf32, #tpu.memory_space<vmem>>, vector<64x64xf32>
    %dot_general3A_13 = arith.constant dense<0.000000e+00> : vector<16384x64xf32>
    %dot_general3A_14 = tpu.matmul %get3A_9, %get3A_12, %dot_general3A_13 {dimension_numbers = #tpu.dot_dimension_numbers<[1], [1], [0], [0], [0, 0, 1, 0], [], []>, transpose_lhs_hint = false} : vector<16384x64xf32>, vector<64x64xf32>, vector<16384x64xf32> -> vector<16384x64xf32>
    %add3A = arith.addf %dot_general3A_6, %dot_general3A_14 : vector<16384x64xf32>
    %get3A_15 = arith.constant 0 : index
    %get3A_16 = arith.constant 0 : index
    %get3A_17 = vector.load %arg4[%get3A_15, %get3A_16] : memref<1x64xf32, #tpu.memory_space<vmem>>, vector<1x64xf32>
    %get3A_18 = arith.constant 0 : index
    %get3A_19 = arith.constant 0 : index
    %get3A_20 = vector.load %arg5[%get3A_18, %get3A_19] : memref<1x64xf32, #tpu.memory_space<vmem>>, vector<1x64xf32>
    %dot_general3A_21 = arith.constant dense<0.000000e+00> : vector<1x64xf32>
    %dot_general3A_22 = tpu.matmul %broadcast_in_dim3A_0, %add3A, %dot_general3A_21 {dimension_numbers = #tpu.dot_dimension_numbers<[1], [0], [0], [1], [0, 0, 1, 1], [], []>, transpose_lhs_hint = false} : vector<1x16384xf32>, vector<16384x64xf32>, vector<1x64xf32> -> vector<1x64xf32>
    %mul3A = arith.constant 6.10351563E-5 : f32
    %mul3A_23 = vector.broadcast %mul3A : f32 to vector<1x64xf32>
    %mul3A_24 = arith.mulf %dot_general3A_22, %mul3A_23 : vector<1x64xf32>
    %dot_general3A_25 = arith.constant dense<0.000000e+00> : vector<64x64xf32>
    %dot_general3A_26 = tpu.matmul %add3A, %add3A, %dot_general3A_25 {dimension_numbers = #tpu.dot_dimension_numbers<[0], [0], [1], [1], [0, 1, 1, 1], [], []>, transpose_lhs_hint = false} : vector<16384x64xf32>, vector<16384x64xf32>, vector<64x64xf32> -> vector<64x64xf32>
    %iota3A = tpu.iota {dimensions = array<i32: 0>} : vector<64x64xi32>
    %iota3A_27 = tpu.iota {dimensions = array<i32: 1>} : vector<64x64xi32>
    %eq3A = arith.cmpi eq, %iota3A, %iota3A_27 : vector<64x64xi32>
    %jit3A = arith.constant 0.000000e+00 : f32
    %broadcast_in_dim3A_28 = vector.broadcast %jit3A : f32 to vector<64x64xf32>
    %select_n3A = arith.select %eq3A, %dot_general3A_26, %broadcast_in_dim3A_28 : vector<64x64xi1>, vector<64x64xf32>
    %reduce_sum3A = arith.constant dense<0.000000e+00> : vector<64xf32>
    %reduce_sum3A_29 = vector.multi_reduction <add>, %select_n3A, %reduce_sum3A [0] : vector<64x64xf32> to vector<64xf32>
    %broadcast_in_dim3A_30 = vector.shape_cast %reduce_sum3A_29 : vector<64xf32> to vector<1x64xf32>
    %mul3A_31 = arith.constant 6.10351563E-5 : f32
    %mul3A_32 = vector.broadcast %mul3A_31 : f32 to vector<1x64xf32>
    %mul3A_33 = arith.mulf %broadcast_in_dim3A_30, %mul3A_32 : vector<1x64xf32>
    %mul3A_34 = arith.mulf %mul3A_24, %mul3A_24 : vector<1x64xf32>
    %sub3A = arith.subf %mul3A_33, %mul3A_34 : vector<1x64xf32>
    %add3A_35 = arith.constant 9.99999974E-6 : f32
    %add3A_36 = vector.broadcast %add3A_35 : f32 to vector<1x64xf32>
    %add3A_37 = arith.addf %sub3A, %add3A_36 : vector<1x64xf32>
    %rsqrt3A = math.rsqrt %add3A_37 : vector<1x64xf32>
    %mul3A_38 = arith.mulf %get3A_17, %rsqrt3A : vector<1x64xf32>
    %mul3A_39 = arith.mulf %mul3A_24, %mul3A_38 : vector<1x64xf32>
    %sub3A_40 = arith.subf %get3A_20, %mul3A_39 : vector<1x64xf32>
    %mul3A_41 = vector.broadcast %mul3A_38 : vector<1x64xf32> to vector<16384x64xf32>
    %mul3A_42 = arith.mulf %add3A, %mul3A_41 : vector<16384x64xf32>
    %add3A_43 = vector.broadcast %sub3A_40 : vector<1x64xf32> to vector<16384x64xf32>
    %add3A_44 = arith.addf %mul3A_42, %add3A_43 : vector<16384x64xf32>
    %max3A = arith.constant 0.000000e+00 : f32
    %max3A_45 = vector.broadcast %max3A : f32 to vector<16384x64xf32>
    %max3A_46 = arith.maximumf %add3A_44, %max3A_45 : vector<16384x64xf32>
    %get3A_47 = arith.constant 0 : index
    %get3A_48 = arith.constant 0 : index
    %get3A_49 = vector.load %arg6[%get3A_47, %get3A_48] : memref<32x64xf32, #tpu.memory_space<vmem>>, vector<32x64xf32>
    %dot_general3A_50 = arith.constant dense<0.000000e+00> : vector<16384x32xf32>
    %dot_general3A_51 = tpu.matmul %max3A_46, %get3A_49, %dot_general3A_50 {dimension_numbers = #tpu.dot_dimension_numbers<[1], [1], [0], [0], [0, 0, 1, 0], [], []>, transpose_lhs_hint = false} : vector<16384x64xf32>, vector<32x64xf32>, vector<16384x32xf32> -> vector<16384x32xf32>
    %get3A_52 = arith.constant 0 : index
    %get3A_53 = arith.constant 0 : index
    %get3A_54 = vector.load %arg7[%get3A_52, %get3A_53] : memref<1x32xf32, #tpu.memory_space<vmem>>, vector<1x32xf32>
    %get3A_55 = arith.constant 0 : index
    %get3A_56 = arith.constant 0 : index
    %get3A_57 = vector.load %arg8[%get3A_55, %get3A_56] : memref<1x32xf32, #tpu.memory_space<vmem>>, vector<1x32xf32>
    %dot_general3A_58 = arith.constant dense<0.000000e+00> : vector<1x32xf32>
    %dot_general3A_59 = tpu.matmul %broadcast_in_dim3A_0, %dot_general3A_51, %dot_general3A_58 {dimension_numbers = #tpu.dot_dimension_numbers<[1], [0], [0], [1], [0, 0, 1, 1], [], []>, transpose_lhs_hint = false} : vector<1x16384xf32>, vector<16384x32xf32>, vector<1x32xf32> -> vector<1x32xf32>
    %mul3A_60 = arith.constant 6.10351563E-5 : f32
    %mul3A_61 = vector.broadcast %mul3A_60 : f32 to vector<1x32xf32>
    %mul3A_62 = arith.mulf %dot_general3A_59, %mul3A_61 : vector<1x32xf32>
    %dot_general3A_63 = arith.constant dense<0.000000e+00> : vector<32x32xf32>
    %dot_general3A_64 = tpu.matmul %dot_general3A_51, %dot_general3A_51, %dot_general3A_63 {dimension_numbers = #tpu.dot_dimension_numbers<[0], [0], [1], [1], [0, 1, 1, 1], [], []>, transpose_lhs_hint = false} : vector<16384x32xf32>, vector<16384x32xf32>, vector<32x32xf32> -> vector<32x32xf32>
    %iota3A_65 = tpu.iota {dimensions = array<i32: 0>} : vector<32x32xi32>
    %iota3A_66 = tpu.iota {dimensions = array<i32: 1>} : vector<32x32xi32>
    %eq3A_67 = arith.cmpi eq, %iota3A_65, %iota3A_66 : vector<32x32xi32>
    %jit3A_68 = arith.constant 0.000000e+00 : f32
    %broadcast_in_dim3A_69 = vector.broadcast %jit3A_68 : f32 to vector<32x32xf32>
    %select_n3A_70 = arith.select %eq3A_67, %dot_general3A_64, %broadcast_in_dim3A_69 : vector<32x32xi1>, vector<32x32xf32>
    %reduce_sum3A_71 = arith.constant dense<0.000000e+00> : vector<32xf32>
    %reduce_sum3A_72 = vector.multi_reduction <add>, %select_n3A_70, %reduce_sum3A_71 [0] : vector<32x32xf32> to vector<32xf32>
    %broadcast_in_dim3A_73 = vector.shape_cast %reduce_sum3A_72 : vector<32xf32> to vector<1x32xf32>
    %mul3A_74 = arith.constant 6.10351563E-5 : f32
    %mul3A_75 = vector.broadcast %mul3A_74 : f32 to vector<1x32xf32>
    %mul3A_76 = arith.mulf %broadcast_in_dim3A_73, %mul3A_75 : vector<1x32xf32>
    %mul3A_77 = arith.mulf %mul3A_62, %mul3A_62 : vector<1x32xf32>
    %sub3A_78 = arith.subf %mul3A_76, %mul3A_77 : vector<1x32xf32>
    %add3A_79 = arith.constant 9.99999974E-6 : f32
    %add3A_80 = vector.broadcast %add3A_79 : f32 to vector<1x32xf32>
    %add3A_81 = arith.addf %sub3A_78, %add3A_80 : vector<1x32xf32>
    %rsqrt3A_82 = math.rsqrt %add3A_81 : vector<1x32xf32>
    %mul3A_83 = arith.mulf %get3A_54, %rsqrt3A_82 : vector<1x32xf32>
    %mul3A_84 = arith.mulf %mul3A_62, %mul3A_83 : vector<1x32xf32>
    %sub3A_85 = arith.subf %get3A_57, %mul3A_84 : vector<1x32xf32>
    %mul3A_86 = vector.broadcast %mul3A_83 : vector<1x32xf32> to vector<16384x32xf32>
    %mul3A_87 = arith.mulf %dot_general3A_51, %mul3A_86 : vector<16384x32xf32>
    %add3A_88 = vector.broadcast %sub3A_85 : vector<1x32xf32> to vector<16384x32xf32>
    %add3A_89 = arith.addf %mul3A_87, %add3A_88 : vector<16384x32xf32>
    %max3A_90 = arith.constant 0.000000e+00 : f32
    %max3A_91 = vector.broadcast %max3A_90 : f32 to vector<16384x32xf32>
    %max3A_92 = arith.maximumf %add3A_89, %max3A_91 : vector<16384x32xf32>
    %get3A_93 = arith.constant 0 : index
    %get3A_94 = arith.constant 0 : index
    %get3A_95 = vector.load %arg9[%get3A_93, %get3A_94] : memref<16x32xf32, #tpu.memory_space<vmem>>, vector<16x32xf32>
    %dot_general3A_96 = arith.constant dense<0.000000e+00> : vector<16384x16xf32>
    %dot_general3A_97 = tpu.matmul %max3A_92, %get3A_95, %dot_general3A_96 {dimension_numbers = #tpu.dot_dimension_numbers<[1], [1], [0], [0], [0, 0, 1, 0], [], []>, transpose_lhs_hint = false} : vector<16384x32xf32>, vector<16x32xf32>, vector<16384x16xf32> -> vector<16384x16xf32>
    %get3A_98 = arith.constant 0 : index
    %get3A_99 = arith.constant 0 : index
    %get3A_100 = vector.load %arg10[%get3A_98, %get3A_99] : memref<1x16xf32, #tpu.memory_space<vmem>>, vector<1x16xf32>
    %get3A_101 = arith.constant 0 : index
    %get3A_102 = arith.constant 0 : index
    %get3A_103 = vector.load %arg11[%get3A_101, %get3A_102] : memref<1x16xf32, #tpu.memory_space<vmem>>, vector<1x16xf32>
    %dot_general3A_104 = arith.constant dense<0.000000e+00> : vector<1x16xf32>
    %dot_general3A_105 = tpu.matmul %broadcast_in_dim3A_0, %dot_general3A_97, %dot_general3A_104 {dimension_numbers = #tpu.dot_dimension_numbers<[1], [0], [0], [1], [0, 0, 1, 1], [], []>, transpose_lhs_hint = false} : vector<1x16384xf32>, vector<16384x16xf32>, vector<1x16xf32> -> vector<1x16xf32>
    %mul3A_106 = arith.constant 6.10351563E-5 : f32
    %mul3A_107 = vector.broadcast %mul3A_106 : f32 to vector<1x16xf32>
    %mul3A_108 = arith.mulf %dot_general3A_105, %mul3A_107 : vector<1x16xf32>
    %dot_general3A_109 = arith.constant dense<0.000000e+00> : vector<16x16xf32>
    %dot_general3A_110 = tpu.matmul %dot_general3A_97, %dot_general3A_97, %dot_general3A_109 {dimension_numbers = #tpu.dot_dimension_numbers<[0], [0], [1], [1], [0, 1, 1, 1], [], []>, transpose_lhs_hint = false} : vector<16384x16xf32>, vector<16384x16xf32>, vector<16x16xf32> -> vector<16x16xf32>
    %iota3A_111 = tpu.iota {dimensions = array<i32: 0>} : vector<16x16xi32>
    %iota3A_112 = tpu.iota {dimensions = array<i32: 1>} : vector<16x16xi32>
    %eq3A_113 = arith.cmpi eq, %iota3A_111, %iota3A_112 : vector<16x16xi32>
    %jit3A_114 = arith.constant 0.000000e+00 : f32
    %broadcast_in_dim3A_115 = vector.broadcast %jit3A_114 : f32 to vector<16x16xf32>
    %select_n3A_116 = arith.select %eq3A_113, %dot_general3A_110, %broadcast_in_dim3A_115 : vector<16x16xi1>, vector<16x16xf32>
    %reduce_sum3A_117 = arith.constant dense<0.000000e+00> : vector<16xf32>
    %reduce_sum3A_118 = vector.multi_reduction <add>, %select_n3A_116, %reduce_sum3A_117 [0] : vector<16x16xf32> to vector<16xf32>
    %broadcast_in_dim3A_119 = vector.shape_cast %reduce_sum3A_118 : vector<16xf32> to vector<1x16xf32>
    %mul3A_120 = arith.constant 6.10351563E-5 : f32
    %mul3A_121 = vector.broadcast %mul3A_120 : f32 to vector<1x16xf32>
    %mul3A_122 = arith.mulf %broadcast_in_dim3A_119, %mul3A_121 : vector<1x16xf32>
    %mul3A_123 = arith.mulf %mul3A_108, %mul3A_108 : vector<1x16xf32>
    %sub3A_124 = arith.subf %mul3A_122, %mul3A_123 : vector<1x16xf32>
    %add3A_125 = arith.constant 9.99999974E-6 : f32
    %add3A_126 = vector.broadcast %add3A_125 : f32 to vector<1x16xf32>
    %add3A_127 = arith.addf %sub3A_124, %add3A_126 : vector<1x16xf32>
    %rsqrt3A_128 = math.rsqrt %add3A_127 : vector<1x16xf32>
    %mul3A_129 = arith.mulf %get3A_100, %rsqrt3A_128 : vector<1x16xf32>
    %mul3A_130 = arith.mulf %mul3A_108, %mul3A_129 : vector<1x16xf32>
    %sub3A_131 = arith.subf %get3A_103, %mul3A_130 : vector<1x16xf32>
    %mul3A_132 = vector.broadcast %mul3A_129 : vector<1x16xf32> to vector<16384x16xf32>
    %mul3A_133 = arith.mulf %dot_general3A_97, %mul3A_132 : vector<16384x16xf32>
    %add3A_134 = vector.broadcast %sub3A_131 : vector<1x16xf32> to vector<16384x16xf32>
    %add3A_135 = arith.addf %mul3A_133, %add3A_134 : vector<16384x16xf32>
    %max3A_136 = arith.constant 0.000000e+00 : f32
    %max3A_137 = vector.broadcast %max3A_136 : f32 to vector<16384x16xf32>
    %max3A_138 = arith.maximumf %add3A_135, %max3A_137 : vector<16384x16xf32>
    %get3A_139 = arith.constant 0 : index
    %get3A_140 = arith.constant 0 : index
    %get3A_141 = vector.load %arg12[%get3A_139, %get3A_140] : memref<8x16xf32, #tpu.memory_space<vmem>>, vector<8x16xf32>
    %dot_general3A_142 = arith.constant dense<0.000000e+00> : vector<16384x8xf32>
    %dot_general3A_143 = tpu.matmul %max3A_138, %get3A_141, %dot_general3A_142 {dimension_numbers = #tpu.dot_dimension_numbers<[1], [1], [0], [0], [0, 0, 1, 0], [], []>, transpose_lhs_hint = false} : vector<16384x16xf32>, vector<8x16xf32>, vector<16384x8xf32> -> vector<16384x8xf32>
    %get3A_144 = arith.constant 0 : index
    %get3A_145 = arith.constant 0 : index
    %get3A_146 = vector.load %arg13[%get3A_144, %get3A_145] : memref<1x8xf32, #tpu.memory_space<vmem>>, vector<1x8xf32>
    %get3A_147 = arith.constant 0 : index
    %get3A_148 = arith.constant 0 : index
    %get3A_149 = vector.load %arg14[%get3A_147, %get3A_148] : memref<1x8xf32, #tpu.memory_space<vmem>>, vector<1x8xf32>
    %dot_general3A_150 = arith.constant dense<0.000000e+00> : vector<1x8xf32>
    %dot_general3A_151 = tpu.matmul %broadcast_in_dim3A_0, %dot_general3A_143, %dot_general3A_150 {dimension_numbers = #tpu.dot_dimension_numbers<[1], [0], [0], [1], [0, 0, 1, 1], [], []>, transpose_lhs_hint = false} : vector<1x16384xf32>, vector<16384x8xf32>, vector<1x8xf32> -> vector<1x8xf32>
    %mul3A_152 = arith.constant 6.10351563E-5 : f32
    %mul3A_153 = vector.broadcast %mul3A_152 : f32 to vector<1x8xf32>
    %mul3A_154 = arith.mulf %dot_general3A_151, %mul3A_153 : vector<1x8xf32>
    %dot_general3A_155 = arith.constant dense<0.000000e+00> : vector<8x8xf32>
    %dot_general3A_156 = tpu.matmul %dot_general3A_143, %dot_general3A_143, %dot_general3A_155 {dimension_numbers = #tpu.dot_dimension_numbers<[0], [0], [1], [1], [0, 1, 1, 1], [], []>, transpose_lhs_hint = false} : vector<16384x8xf32>, vector<16384x8xf32>, vector<8x8xf32> -> vector<8x8xf32>
    %iota3A_157 = tpu.iota {dimensions = array<i32: 0>} : vector<8x8xi32>
    %iota3A_158 = tpu.iota {dimensions = array<i32: 1>} : vector<8x8xi32>
    %eq3A_159 = arith.cmpi eq, %iota3A_157, %iota3A_158 : vector<8x8xi32>
    %jit3A_160 = arith.constant 0.000000e+00 : f32
    %broadcast_in_dim3A_161 = vector.broadcast %jit3A_160 : f32 to vector<8x8xf32>
    %select_n3A_162 = arith.select %eq3A_159, %dot_general3A_156, %broadcast_in_dim3A_161 : vector<8x8xi1>, vector<8x8xf32>
    %reduce_sum3A_163 = arith.constant dense<0.000000e+00> : vector<8xf32>
    %reduce_sum3A_164 = vector.multi_reduction <add>, %select_n3A_162, %reduce_sum3A_163 [0] : vector<8x8xf32> to vector<8xf32>
    %broadcast_in_dim3A_165 = vector.shape_cast %reduce_sum3A_164 : vector<8xf32> to vector<1x8xf32>
    %mul3A_166 = arith.constant 6.10351563E-5 : f32
    %mul3A_167 = vector.broadcast %mul3A_166 : f32 to vector<1x8xf32>
    %mul3A_168 = arith.mulf %broadcast_in_dim3A_165, %mul3A_167 : vector<1x8xf32>
    %mul3A_169 = arith.mulf %mul3A_154, %mul3A_154 : vector<1x8xf32>
    %sub3A_170 = arith.subf %mul3A_168, %mul3A_169 : vector<1x8xf32>
    %add3A_171 = arith.constant 9.99999974E-6 : f32
    %add3A_172 = vector.broadcast %add3A_171 : f32 to vector<1x8xf32>
    %add3A_173 = arith.addf %sub3A_170, %add3A_172 : vector<1x8xf32>
    %rsqrt3A_174 = math.rsqrt %add3A_173 : vector<1x8xf32>
    %mul3A_175 = arith.mulf %get3A_146, %rsqrt3A_174 : vector<1x8xf32>
    %mul3A_176 = arith.mulf %mul3A_154, %mul3A_175 : vector<1x8xf32>
    %sub3A_177 = arith.subf %get3A_149, %mul3A_176 : vector<1x8xf32>
    %mul3A_178 = vector.broadcast %mul3A_175 : vector<1x8xf32> to vector<16384x8xf32>
    %mul3A_179 = arith.mulf %dot_general3A_143, %mul3A_178 : vector<16384x8xf32>
    %add3A_180 = vector.broadcast %sub3A_177 : vector<1x8xf32> to vector<16384x8xf32>
    %add3A_181 = arith.addf %mul3A_179, %add3A_180 : vector<16384x8xf32>
    %max3A_182 = arith.constant 0.000000e+00 : f32
    %max3A_183 = vector.broadcast %max3A_182 : f32 to vector<16384x8xf32>
    %max3A_184 = arith.maximumf %add3A_181, %max3A_183 : vector<16384x8xf32>
    %get3A_185 = arith.constant 0 : index
    %get3A_186 = arith.constant 0 : index
    %get3A_187 = vector.load %arg15[%get3A_185, %get3A_186] : memref<8x8xf32, #tpu.memory_space<vmem>>, vector<8x8xf32>
    %dot_general3A_188 = arith.constant dense<0.000000e+00> : vector<16384x8xf32>
    %dot_general3A_189 = tpu.matmul %max3A_184, %get3A_187, %dot_general3A_188 {dimension_numbers = #tpu.dot_dimension_numbers<[1], [1], [0], [0], [0, 0, 1, 0], [], []>, transpose_lhs_hint = false} : vector<16384x8xf32>, vector<8x8xf32>, vector<16384x8xf32> -> vector<16384x8xf32>
    %get3A_190 = arith.constant 0 : index
    %get3A_191 = arith.constant 0 : index
    %get3A_192 = vector.load %arg16[%get3A_190, %get3A_191] : memref<1x1xf32, #tpu.memory_space<vmem>>, vector<1x1xf32>
    %get3A_193 = vector.extract %get3A_192[0, 0] : f32 from vector<1x1xf32>
    %add3A_194 = vector.broadcast %get3A_193 : f32 to vector<16384x8xf32>
    %add3A_195 = arith.addf %dot_general3A_189, %add3A_194 : vector<16384x8xf32>
    %logistic3A = arith.negf %add3A_195 : vector<16384x8xf32>
    %logistic3A_196 = math.exp %logistic3A : vector<16384x8xf32>
    %logistic3A_197 = arith.constant 1.000000e+00 : f32
    %logistic3A_198 = vector.broadcast %logistic3A_197 : f32 to vector<16384x8xf32>
    %logistic3A_199 = arith.addf %logistic3A_198, %logistic3A_196 : vector<16384x8xf32>
    %logistic3A_200 = arith.divf %logistic3A_198, %logistic3A_199 : vector<16384x8xf32>
    %mul3A_201 = arith.constant 5.000000e+00 : f32
    %mul3A_202 = vector.broadcast %mul3A_201 : f32 to vector<16384x8xf32>
    %mul3A_203 = arith.mulf %logistic3A_200, %mul3A_202 : vector<16384x8xf32>
    %slice3A = vector.extract_strided_slice %mul3A_203 {offsets = [0, 0], sizes = [16384, 1], strides = [1, 1]} : vector<16384x8xf32> to vector<16384x1xf32>
    %swap3A = arith.constant 0 : index
    %swap3A_204 = arith.constant 0 : index
    %swap3A_205 = vector.load %arg17[%swap3A, %swap3A_204] : memref<16384x1xf32, #tpu.memory_space<vmem>>, vector<16384x1xf32>
    tpu.vector_store %arg17[%swap3A, %swap3A_204], %slice3A {strides = array<i32>} : memref<16384x1xf32, #tpu.memory_space<vmem>>, vector<16384x1xf32>,
    return
  }
}

</mosaic_0001>

<sc_bundles>
// kernel: kernel.5.cloned.1.call-start
scs
__scs_entry_jumppad:
0x0: {  	(pc) =	sbr.rel $0x88, $3  }
0x1: {  	(tag) =	ssettag $0x0;
	lr =	simm.s32 $0x1  }
0x2: {  	[smem:$0x3F8F] =	sst lr;
	_ =	strace $0xD0000000  }
0x3: {  	_ = 	snop  }
0x4: {  	_ = 	snop  }
0x5: {  	_ = 	snop  }
0x6: {  	_ = 	snop  }
0x7: {  	_ = 	snop  }
__scs_overlays_trampoline_lowered:
0x8: {  	[smem:$0x3F9E] =	sst s0  }
0x9: {  	[smem:$0x3F9F] =	sst s1  }
0xa: {  	[smem:$0x3FA0] =	sst s2  }
0xb: {  	[smem:$0x3FA1] =	sst s3  }
0xc: {  	[smem:$0x3FA2] =	sst s4  }
0xd: {  	[smem:$0x3FA3] =	sst s5  }
0xe: {  	[smem:$0x3FA4] =	sst s6  }
0xf: {  	[smem:$0x3FA5] =	sst s7  }
0x10: {  	[smem:$0x3FA6] =	sst s8  }
0x11: {  	[smem:$0x3FA7] =	sst s9;
	s0 =	simm.s32 @!p0 $0x0  }
0x12: {  	s1 =	sld [smem:$0x3F8D];
	s0 =	simm.s32 @p0 $0x1  }
0x13: {  	[smem:$0x3FA8] =	sst s0;
	s0 =	simm.s32 @!p1 $0x0  }
0x14: {  	s2 =	sld [smem:$0x3F8C];
	s0 =	simm.s32 @p1 $0x1  }
0x15: {  	[smem:$0x3FA9] =	sst s0;
	s0 =	simm.s32 @!p2 $0x0  }
0x16: {  	s3 =	sld [smem:$0x3FDB];
	s0 =	simm.s32 @p2 $0x1  }
0x17: {  	s4 =	simm.s32 $0x1BF5;
	[smem:$0x3FAB] =	sst s0  }
0x18: {  	s0 =	sld [smem:$0x3F8E];
	_ =	swait.ge [sflag:s4], $0x0  }
0x19: {  	s7 =	sld [smem:$0x3F8F]  }
0x1a: {  	s8 =	sadd.s32 $0xFFFFE003, lr  }
0x1b: {  	s9 =	sadd.s32 $0xFFFFFEF7, lr;
	s5 =	simm.s32 $0xFFFFFFFF;
	p2 =	slt.u32 s8, $0xFFFFF086  }
0x1c: {  	p1 =	slt.u32 s9, $0xF7A;
	s5 =	simm.s32 @!p2 $0x0  }
0x1d: {  	s5 =	simm.s32 @p1 $0x1;
	p0 =	seq.s32 s7, s2  }
0x1e: {  	s7 =	smul.u32 @!p0 $0xF7A, s2;
	p2 =	seq.s32 @!p0 s5, $0x0  }
0x1f: {  	s9 =	smul.u32 $0xF7A, s1;
	s8 =	simm.s32 @!p0 $0x1BF5;
	p2 =	por !p2, p0  }
0x20: {  	[sflag:s8] =	ssyncset.s32 @!p0 $0xFFFFF086;
	s6 =	sadd.s32 @!p0 s3, s7;
	s7 =	simm.s32 @!p0 $0x108  }
0x21: {  	s3 =	sadd.s32 s3, s9;
	s6 =	sadd.s32 @!p0 $0x88, s6;
	s7 =	simm.s32 @p2 $0x1082  }
0x22: {  	[simem:s7], [sflag:s8] =	dma.local @!p0 [hbm:s6], $0xF7A  }
0x23: {  	s9 =	sor.u32 $0xD0000000, s2;
	s6 =	simm.s32 $0x108;
	_ =	swait.ge @!p0 [sflag:s8], $0x0  }
0x24: {  	s3 =	sadd.s32 $0x88, s3;
	s6 =	simm.s32 @!p1 $0x1082;
	[sflag:s4] =	ssyncset.s32 $0xFFFFF086  }
0x25: {  	[simem:s6], [sflag:s4] =	dma.local [hbm:s3], $0xF7A  }
0x26: {  	[smem:$0x3F8F] =	sst s1;
	(tag) =	ssettag s2;
	_ =	strace s9  }
0x27: {  	s1 =	sld [smem:$0x3F9F]  }
0x28: {  	s2 =	sld [smem:$0x3FA0]  }
0x29: {  	s4 =	sld [smem:$0x3FA2]  }
0x2a: {  	p0 =	seq.s32 s5, $0x0;
	s5 =	sld [smem:$0x3FA3]  }
0x2b: {  	s6 =	sld [smem:$0x3FA4]  }
0x2c: {  	s7 =	sld [smem:$0x3FA5]  }
0x2d: {  	s3 =	simm.s32 $0x108;
	s8 =	sld [smem:$0x3FA6]  }
0x2e: {  	s3 =	simm.s32 @!p0 $0x1082;
	s9 =	sld [smem:$0x3FA7]  }
0x2f: {  	lr =	sadd.s32 s0, s3;
	s0 =	sld [smem:$0x3F9E]  }
0x30: {  	s3 =	sld [smem:$0x3FA1]  }
0x31: {  	[smem:$0x3FAA] =	sst s10  }
0x32: {  	s10 =	sld [smem:$0x3FA8];
	_ =	sdelay $0x3  }
0x33: {  	p0 =	seq.s32 s10, $0x1;
	s10 =	sld [smem:$0x3FAA];
	_ =	sdelay $0x3  }
0x34: {  	[smem:$0x3FAA] =	sst s10  }
0x35: {  	s10 =	sld [smem:$0x3FA9];
	_ =	sdelay $0x3  }
0x36: {  	p1 =	seq.s32 s10, $0x1;
	s10 =	sld [smem:$0x3FAA];
	_ =	sdelay $0x3  }
0x37: {  	[smem:$0x3FAA] =	sst s10  }
0x38: {  	s10 =	sld [smem:$0x3FAB]  }
0x39: {  	_ = 	snop;
	(pc) =	sbr.ind lr, $3  }
0x3a: {  	_ = 	snop  }
0x3b: {  	_ = 	snop  }
0x3c: {  	p2 =	seq.s32 s10, $0x1;
	s10 =	sld [smem:$0x3FAA]  }
0x3d: {  	_ =	shalt  }
0x3e: {  	_ =	shalt  }
0x3f: {  	_ =	shalt  }
0x40: {  	_ =	shalt  }
0x41: {  	_ =	shalt  }
0x42: {  	_ =	shalt  }
0x43: {  	_ =	shalt  }
0x44: {  	_ =	shalt  }
0x45: {  	_ =	shalt  }
0x46: {  	_ =	shalt  }
0x47: {  	_ =	shalt  }
0x48: {  	_ =	shalt  }
0x49: {  	_ =	shalt  }
0x4a: {  	_ =	shalt  }
0x4b: {  	_ =	shalt  }
0x4c: {  	_ =	shalt  }
0x4d: {  	_ =	shalt  }
0x4e: {  	_ =	shalt  }
0x4f: {  	_ =	shalt  }
0x50: {  	_ =	shalt  }
0x51: {  	_ =	shalt  }
0x52: {  	_ =	shalt  }
0x53: {  	_ =	shalt  }
0x54: {  	_ =	shalt  }
0x55: {  	_ =	shalt  }
0x56: {  	_ =	shalt  }
0x57: {  	_ =	shalt  }
0x58: {  	_ =	shalt  }
0x59: {  	_ =	shalt  }
0x5a: {  	_ =	shalt  }
0x5b: {  	_ =	shalt  }
0x5c: {  	_ =	shalt  }
0x5d: {  	_ =	shalt  }
0x5e: {  	_ =	shalt  }
0x5f: {  	_ =	shalt  }
0x60: {  	_ =	shalt  }
0x61: {  	_ =	shalt  }
0x62: {  	_ =	shalt  }
0x63: {  	_ =	shalt  }
0x64: {  	_ =	shalt  }
0x65: {  	_ =	shalt  }
0x66: {  	_ =	shalt  }
0x67: {  	_ =	shalt  }
0x68: {  	_ =	shalt  }
0x69: {  	_ =	shalt  }
0x6a: {  	_ =	shalt  }
0x6b: {  	_ =	shalt  }
0x6c: {  	_ =	shalt  }
0x6d: {  	_ =	shalt  }
0x6e: {  	_ =	shalt  }
0x6f: {  	_ =	shalt  }
0x70: {  	_ =	shalt  }
0x71: {  	_ =	shalt  }
0x72: {  	_ =	shalt  }
0x73: {  	_ =	shalt  }
0x74: {  	_ =	shalt  }
0x75: {  	_ =	shalt  }
0x76: {  	_ =	shalt  }
0x77: {  	_ =	shalt  }
0x78: {  	_ =	shalt  }
0x79: {  	_ =	shalt  }
0x7a: {  	_ =	shalt  }
0x7b: {  	_ =	shalt  }
0x7c: {  	_ =	shalt  }
0x7d: {  	_ =	shalt  }
0x7e: {  	_ =	shalt  }
0x7f: {  	_ =	shalt  }
0x80: {  	_ =	shalt  }
0x81: {  	_ =	shalt  }
0x82: {  	_ =	shalt  }
0x83: {  	_ =	shalt  }
0x84: {  	_ =	shalt  }
0x85: {  	_ =	shalt  }
0x86: {  	_ =	shalt  }
0x87: {  	_ =	shalt  }
.Lfunc_end0:
.L_simem_size_0:
called_computation_lowered:
.L_overlay_start_0:
0x88: {  	s2 =	sld [smem:$0x3FD9]  }
0x89: {  	s3 =	sld [smem:$0x3FFE];
	_ =	sdelay $0x1  }
0x8a: {  	s1 =	srdreg.scid  }
0x8b: {  	s0 =	sand.u32 $0x1, s1  }
0x8c: {  	s17 =	sshll.u32 s0, $0xA;
	s2 =	sadd.s32 s3, s2  }
0x8d: {  	s2 =	sadd.s32 s2, s17  }
0x8e: {  	[smem:$0x3FB6] =	sst s2  }
0x8f: {  	_ = 	snop  }
0x90: {  	s2 =	sld [smem:$0x3FC9];
	(tm) =	ssettm $0x1  }
0x91: {  	s18 =	sld [smem:$0x3FFB];
	_ =	sdelay $0x3  }
0x92: {  	_ =	strace s18  }
0x93: {  	s3 =	sld [smem:$0x3FFC];
	_ =	sdelay $0x3  }
0x94: {  	_ =	strace s3  }
0x95: {  	s3 =	sld [smem:$0x3FFD];
	_ =	sdelay $0x3  }
0x96: {  	_ =	strace s3  }
0x97: {  	_ =	strace $0x8FFFFFFF  }
0x98: {  	s19 =	sld [smem:$0x3FDB];
	_ =	sdelay $0x1  }
0x99: {  	s4 =	simm.s32 $_scs_section_size  }
0x9a: {  	s5 =	simm.s32 $_size__tile_overlayer_lowered;
	s6 =	simm.s32 $_tile_overlayer_lowered  }
0x9b: {  	s22 =	simm.s32 $0x1BFF;
	s21 =	sshll.u32 s6, $0x1;
	s3 =	sadd.s32 s4, s19  }
0x9c: {  	s7 =	simm.s32 $0x0;
	s20 =	sshll.u32 s5, $0x1;
	s5 =	sadd.s32 s21, s3  }
0x9d: {  	[timem:s7], [sflag:s22] =	dma.local [hbm:s5], s20  }
0x9e: {  	_ =	swait.ge [sflag:s22], s20  }
0x9f: {  	s4 =	ssub.s32 $0x0, s20;
	[sflag:s22] =	ssyncset.done $0x0  }
0xa0: {  	[sflag:s22] =	ssyncadd.s32 s4;
	_ =	sdelay $0x1  }
0xa1: {  	s23 =	simm.s32 $0x1B8B  }
0xa2: {  	_ =	swait.ge [sflag:s23], $0x1  }
0xa3: {  	[sflag:s23] =	ssyncset.done $0x0  }
0xa4: {  	s25 =	simm.s32 $0x1B8E;
	s24 =	sld [smem:$0x3FFE];
	[sflag:s23] =	ssyncadd.s32 $0xFFFFFFFF  }
0xa5: {  	s26 =	simm.s32 $execute0_lowered;
	[smem:$0x3FD2] =	sst s25  }
0xa6: {  	s5 =	sshll.u32 s26, $0x1;
	_ =	strace $0x80000046;
	[dreg:$0x1] =	wrdreg $0xFFFFFFFF  }
0xa7: {  	s28 =	simm.s32 $_size_execute0_lowered;
	s3 =	sadd.s32 s3, s5;
	[dreg:$0x0] =	wrdreg $0x0  }
0xa8: {  	s5 =	sshll.u32 s28, $0x1;
	[dreg:$0x2] =	wrdreg s3  }
0xa9: {  	[dreg:$0x3] =	wrdreg s5  }
0xaa: {  	[dreg:$0x4] =	wrdreg $0xC0  }
0xab: {  	_ =	task [dreg:s7], $0x5FFFF  }
0xac: {  	[dreg:$0x1] =	wrdreg $0xFFFFFFFF  }
0xad: {  	[dreg:$0x0] =	wrdreg $0x60  }
0xae: {  	[dreg:$0x2] =	wrdreg s2  }
0xaf: {  	[dreg:$0x3] =	wrdreg s24  }
0xb0: {  	[dreg:$0x4] =	wrdreg $0x9  }
0xb1: {  	_ =	task.clear_ibuf [dreg:s7], $0x5FFFF;
	_ =	strace $0x90000046  }
0xb2: {  	s29 =	simm.s32 $0x9;
	_ =	strace $0x80000048  }
0xb3: {  	_ =	swait.ge [sflag:s29], $0x1  }
0xb4: {  	[sflag:s29] =	ssyncadd.s32 $0xFFFFFFFF  }
0xb5: {  	_ =	strace $0x90000048  }
0xb6: {  	_ =	sfence  }
0xb7: {  	s30 =	sld [smem:$0x0];
	_ =	sdelay $0x2  }
0xb8: {  	s31 =	sshll.u32 s1, $0xD;
	s1 =	sshrl.u32 s1, $0x2  }
0xb9: {  	s3 =	sand.u32 $0x4000, s31;
	s1 =	sadd.s32 s1, s30  }
0xba: {  	s0 =	sor.u32 s3, s0;
	s1 =	sshll.u32 s1, $0x11  }
0xbb: {  	s0 =	sor.u32 s1, s0  }
0xbc: {  	s0 =	sadd.s32 $0x8F2B, s0  }
0xbd: {  	[sflag:s0] =	ssyncadd.remote.s32 $0x1  }
0xbe: {  	_ =	sfence.sel $0xFFFF  }
0xbf: {  	[dreg:$0x0] =	wrdreg $0xFFFFFFFF;
	(pc) =	sbr.abs _section_cstart, $3  }
0xc0: {  	[dreg:$0x1] =	wrdreg $0xFFFFFFFF  }
0xc1: {  	_ =	task.clear_ibuf [dreg:s7], $0x2FFFF;
	_ =	strace $0x9FFFFFFF  }
0xc2: {  	(tm) =	ssettm $0x7FFFFFFF  }
0xc3: {  	_ =	shalt  }
tec
execute0_lowered:
.L_overlay_start_1:
0x0: {  	(tag) =	ssettag $0x1  }
0x1: {  	s4 =	rddreg [dreg:$0x0]  }
0x2: {  	s5 =	rddreg [dreg:$0x1]  }
0x3: {  	s0 =	rddreg [dreg:$0x2];
	s2 =	simm.s32 $0x0;
	s3 =	srdreg.scid  }
0x4: {  	s1 =	stileid.u32;
	s10 =	simm.s32 $0x0;
	s6 =	sand.u32 $0x1, s3  }
0x5: {  	[smem:$0x7FF] =	sst s2;
	s7 =	sshll.u32 s1, $0xA;
	s8 =	sshll.u32 s6, $0x9  }
0x6: {  	s3 =	sadd.s32 $0x4200, s5;
	s6 =	ssub.s32 $0x2, s6;
	s7 =	sor.u32 s8, s7  }
0x7: {  	_ =	strace $0x80000047;
	s9 =	sshrl.u32 s6, $0x1;
	s8 =	sshll.u32 s7, $0x4  }
0x8: {  	s7 =	sshrl.u32 s7, $0x3;
	s6 =	ssub.s32 s6, s9;
	s9 =	simm.s32 $0x200  }
0x9: {  	s5 =	sadd.s32 s8, s5;
	s4 =	sadd.s32 s4, s7;
	s6 =	smax.u32 s6, $0x1  }
0xa: {  	s7 =	simm.s32 $0x2;
	s8 =	simm.s32 $0x1;
	s5 =	sadd.s32 $0x18AC00, s5  }
.LBB2_1:
0xb: {  	[tilespmem:s2], [sflag:$0x2] =	stream.linear.gather [hbm4b:s4+s2], $0x200, $0x38;
	[tilespmem:$0x10200] =	vst v63  }
0xc: {  	_ =	swait.ge [sflag:s7], $0x200  }
0xd: {  	[sflag:s7] =	ssyncset.done $0x0  }
0xe: {  	[sflag:s7] =	ssyncadd.s32 $0xFFFFFE00  }
0xf: {  	v0 =	vld [tilespmem:s2+$0x0];
	_ =	sdelay $0x4  }
0x10: {  	v0 =	vshll.u32 v0, $0x4  }
0x11: {  	(v2sf) =	vpush v0, $0x0  }
0x12: {  	(v2sf) =	vpush v0, $0x1  }
0x13: {  	(v2sf) =	vpush v0, $0x2;
	_ =	sdelay $0x1  }
0x14: {  	(v2sf) =	vpush v0, $0x4;
	_ =	sdelay $0x1  }
0x15: {  	(v2sf) =	vpush v0, $0x3  }
0x16: {  	(v2sf) =	vpush v0, $0x5  }
0x17: {  	s12 =	simm.s32 $0x2000;
	s11 =	simm.s32 $0x0;
	s13 =	simm.s32 $0x0;
	(v2sf) =	vpush v0, $0x6  }
.LBB2_2:
0x18: {  	p0 =	sne.s32 s12, $0x3E000  }
0x19: {  	s23 =	sadd.s32 $0x280, s11;
	s17 =	sadd.s32 $0x780, s11;
	s14 =	smov.u32 s12  }
0x1a: {  	s12 =	sadd.s32 $0x2000, s12;
	s20 =	sadd.s32 $0x580, s11;
	s15 =	sadd.s32 $0x800, s11;
	(v2sf) =	vpush v0, $0x7  }
0x1b: {  	s22 =	sadd.s32 $0x480, s11;
	s19 =	sadd.s32 $0x600, s11;
	s16 =	sadd.s32 $0x880, s11  }
0x1c: {  	s24 =	sadd.s32 $0x200, s11;
	s25 =	sadd.s32 $0x400, s11;
	(v2sf) =	vpush v0, $0x8  }
0x1d: {  	s26 =	sadd.s32 $0x500, s11;
	s13 =	sadd.s32 $0x10, s13  }
0x1e: {  	s28 =	sadd.s32 $0x300, s11;
	s18 =	sadd.s32 $0x700, s11;
	s21 =	spop (v2sf);
	(v2sf) =	vpush v0, $0x9  }
0x1f: {  	s29 =	sand.u32 $0x1FFFFFF0, s21;
	s21 =	sadd.s32 $0x680, s11;
	s30 =	spop (v2sf)  }
0x20: {  	s29 =	sadd.s32 s3, s29;
	s30 =	sand.u32 $0x1FFFFFF0, s30;
	s31 =	spop (v2sf);
	(v2sf) =	vpush v0, $0xA  }
0x21: {  	[tilespmem:s24], [sflag:$0x1] =	stream.linear.gather [hbm4b:s29+s2], $0x80, $0x38;
	[tilespmem:$0x10200] =	vst v63  }
0x22: {  	s24 =	sadd.s32 s3, s30;
	s29 =	sadd.s32 $0x380, s11;
	s30 =	spop (v2sf);
	(v2sf) =	vpush v0, $0xB  }
0x23: {  	[tilespmem:s23], [sflag:$0x1] =	stream.linear.gather [hbm4b:s24+s2], $0x80, $0x38;
	[tilespmem:$0x10200] =	vst v63  }
0x24: {  	s23 =	sand.u32 $0x1FFFFFF0, s31;
	s24 =	sand.u32 $0x1FFFFFF0, s30;
	s30 =	spop (v2sf);
	(v2sf) =	vpush v0, $0xC  }
0x25: {  	s23 =	sadd.s32 s3, s23;
	s30 =	sand.u32 $0x1FFFFFF0, s30;
	s31 =	spop (v2sf)  }
0x26: {  	[tilespmem:s28], [sflag:$0x1] =	stream.linear.gather [hbm4b:s23+s2], $0x80, $0x38;
	(v2sf) =	vpush v0, $0xD;
	[tilespmem:$0x10200] =	vst v63  }
0x27: {  	s23 =	sadd.s32 s3, s30;
	s28 =	sand.u32 $0x1FFFFFF0, s31;
	s30 =	spop (v2sf)  }
0x28: {  	[tilespmem:s29], [sflag:$0x1] =	stream.linear.gather [hbm4b:s23+s2], $0x80, $0x38;
	(v2sf) =	vpush v0, $0xE;
	[tilespmem:$0x10200] =	vst v63  }
0x29: {  	s23 =	sadd.s32 s3, s24;
	s24 =	sand.u32 $0x1FFFFFF0, s30;
	s29 =	spop (v2sf)  }
0x2a: {  	[tilespmem:s25], [sflag:$0x1] =	stream.linear.gather [hbm4b:s23+s2], $0x80, $0x38;
	(v2sf) =	vpush v0, $0xF;
	[tilespmem:$0x10200] =	vst v63  }
0x2b: {  	s23 =	sadd.s32 s3, s28;
	s25 =	sand.u32 $0x1FFFFFF0, s29;
	s28 =	spop (v2sf)  }
0x2c: {  	[tilespmem:s22], [sflag:$0x1] =	stream.linear.gather [hbm4b:s23+s2], $0x80, $0x38;
	[tilespmem:$0x10200] =	vst v63  }
0x2d: {  	s22 =	sadd.s32 s3, s24;
	s23 =	sand.u32 $0x1FFFFFF0, s28;
	s24 =	spop (v2sf)  }
0x2e: {  	[tilespmem:s26], [sflag:$0x1] =	stream.linear.gather [hbm4b:s22+s2], $0x80, $0x38;
	[tilespmem:$0x10200] =	vst v63  }
0x2f: {  	s22 =	sadd.s32 s3, s25;
	s24 =	sand.u32 $0x1FFFFFF0, s24;
	s25 =	spop (v2sf)  }
0x30: {  	[tilespmem:s20], [sflag:$0x1] =	stream.linear.gather [hbm4b:s22+s2], $0x80, $0x38;
	[tilespmem:$0x10200] =	vst v63  }
0x31: {  	s20 =	sadd.s32 s3, s23;
	s22 =	sand.u32 $0x1FFFFFF0, s25;
	s23 =	spop (v2sf)  }
0x32: {  	[tilespmem:s19], [sflag:$0x1] =	stream.linear.gather [hbm4b:s20+s2], $0x80, $0x38;
	[tilespmem:$0x10200] =	vst v63  }
0x33: {  	s19 =	sadd.s32 s3, s24;
	s20 =	sand.u32 $0x1FFFFFF0, s23;
	s23 =	spop (v2sf)  }
0x34: {  	[tilespmem:s21], [sflag:$0x1] =	stream.linear.gather [hbm4b:s19+s2], $0x80, $0x38;
	[tilespmem:$0x10200] =	vst v63  }
0x35: {  	s19 =	sadd.s32 s3, s22;
	s21 =	sand.u32 $0x1FFFFFF0, s23;
	s22 =	spop (v2sf)  }
0x36: {  	[tilespmem:s18], [sflag:$0x1] =	stream.linear.gather [hbm4b:s19+s2], $0x80, $0x38;
	[tilespmem:$0x10200] =	vst v63  }
0x37: {  	s18 =	sadd.s32 s3, s20;
	s19 =	sand.u32 $0x1FFFFFF0, s22;
	s20 =	spop (v2sf)  }
0x38: {  	[tilespmem:s17], [sflag:$0x1] =	stream.linear.gather [hbm4b:s18+s2], $0x80, $0x38;
	[tilespmem:$0x10200] =	vst v63  }
0x39: {  	s17 =	sadd.s32 s3, s21;
	s18 =	sand.u32 $0x1FFFFFF0, s20;
	s20 =	spop (v2sf)  }
0x3a: {  	[tilespmem:s15], [sflag:$0x1] =	stream.linear.gather [hbm4b:s17+s2], $0x80, $0x38;
	[tilespmem:$0x10200] =	vst v63  }
0x3b: {  	s15 =	sadd.s32 s3, s19;
	s17 =	sand.u32 $0x1FFFFFF0, s20  }
0x3c: {  	[tilespmem:s16], [sflag:$0x1] =	stream.linear.gather [hbm4b:s15+s2], $0x80, $0x38;
	[tilespmem:$0x10200] =	vst v63  }
0x3d: {  	s15 =	sadd.s32 $0x900, s11;
	s16 =	sadd.s32 s3, s18  }
0x3e: {  	[tilespmem:s15], [sflag:$0x1] =	stream.linear.gather [hbm4b:s16+s2], $0x80, $0x38;
	[tilespmem:$0x10200] =	vst v63  }
0x3f: {  	s11 =	sadd.s32 $0x980, s11;
	s15 =	sadd.s32 s3, s17  }
0x40: {  	[tilespmem:s11], [sflag:$0x1] =	stream.linear.gather [hbm4b:s15+s2], $0x80, $0x38;
	[tilespmem:$0x10200] =	vst v63  }
0x41: {  	v0 =	vld [tilespmem:s13+$0x0];
	_ =	sdelay $0x4  }
0x42: {  	v0 =	vshll.u32 v0, $0x4  }
0x43: {  	(v2sf) =	vpush v0, $0x0  }
0x44: {  	(v2sf) =	vpush v0, $0x1  }
0x45: {  	(v2sf) =	vpush v0, $0x2;
	_ =	sdelay $0x1  }
0x46: {  	(v2sf) =	vpush v0, $0x4  }
.Ltmp0:
0x47: {  	(pc) =	sbr.rel @p0 .LBB2_2-.Ltmp0, $3  }
0x48: {  	(v2sf) =	vpush v0, $0x3  }
0x49: {  	(v2sf) =	vpush v0, $0x5;
	_ =	sdelay $0x1  }
0x4a: {  	s11 =	sshra.s32 s14, $0x2;
	(v2sf) =	vpush v0, $0x6  }
0x4b: {  	_ =	sdelay $0x1  }
0x4c: {  	s15 =	sadd.s32 $0x280, s11;
	s14 =	sadd.s32 $0x780, s11  }
0x4d: {  	s16 =	sadd.s32 $0x580, s11;
	s12 =	sadd.s32 $0x800, s11;
	(v2sf) =	vpush v0, $0x7;
	s17 =	sadd.s32 $0x480, s11  }
0x4e: {  	s18 =	sadd.s32 $0x600, s11;
	s13 =	sadd.s32 $0x880, s11;
	s19 =	sadd.s32 $0x200, s11  }
0x4f: {  	s20 =	sadd.s32 $0x400, s11;
	s21 =	sadd.s32 $0x500, s11;
	(v2sf) =	vpush v0, $0x8;
	s22 =	spop (v2sf)  }
0x50: {  	s23 =	sadd.s32 $0x300, s11;
	s22 =	sand.u32 $0x1FFFFFF0, s22;
	s24 =	spop (v2sf)  }
0x51: {  	(v2sf) =	vpush v0, $0x9;
	s22 =	sadd.s32 s3, s22;
	s24 =	sand.u32 $0x1FFFFFF0, s24;
	s25 =	spop (v2sf)  }
0x52: {  	[tilespmem:s19], [sflag:$0x1] =	stream.linear.gather [hbm4b:s22+s2], $0x80, $0x38;
	[tilespmem:$0x10200] =	vst v63  }
0x53: {  	s26 =	sadd.s32 $0x380, s11;
	(v2sf) =	vpush v0, $0xA;
	s30 =	sadd.s32 s3, s24;
	s31 =	spop (v2sf)  }
0x54: {  	[tilespmem:s15], [sflag:$0x1] =	stream.linear.gather [hbm4b:s30+s2], $0x80, $0x38;
	[tilespmem:$0x10200] =	vst v63  }
0x55: {  	s19 =	sadd.s32 $0x700, s11;
	s28 =	sand.u32 $0x1FFFFFF0, s25;
	(v2sf) =	vpush v0, $0xB;
	s29 =	spop (v2sf)  }
0x56: {  	s22 =	sadd.s32 s3, s28;
	s15 =	sadd.s32 $0x680, s11;
	s25 =	sand.u32 $0x1FFFFFF0, s29  }
0x57: {  	(v2sf) =	vpush v0, $0xC;
	[tilespmem:s23], [sflag:$0x1] =	stream.linear.gather [hbm4b:s22+s2], $0x80, $0x38;
	[tilespmem:$0x10200] =	vst v63  }
0x58: {  	s30 =	sand.u32 $0x1FFFFFF0, s31;
	s31 =	spop (v2sf);
	s28 =	sadd.s32 s3, s25  }
0x59: {  	(v2sf) =	vpush v0, $0xD;
	[tilespmem:s26], [sflag:$0x1] =	stream.linear.gather [hbm4b:s28+s2], $0x80, $0x38;
	[tilespmem:$0x10200] =	vst v63  }
0x5a: {  	s22 =	sadd.s32 s3, s30;
	s23 =	sand.u32 $0x1FFFFFF0, s31;
	s29 =	spop (v2sf)  }
0x5b: {  	(v2sf) =	vpush v0, $0xE;
	[tilespmem:s20], [sflag:$0x1] =	stream.linear.gather [hbm4b:s22+s2], $0x80, $0x38;
	[tilespmem:$0x10200] =	vst v63  }
0x5c: {  	s23 =	sadd.s32 s3, s23;
	s30 =	sand.u32 $0x1FFFFFF0, s29;
	s31 =	spop (v2sf)  }
0x5d: {  	(v2sf) =	vpush v0, $0xF;
	[tilespmem:s17], [sflag:$0x1] =	stream.linear.gather [hbm4b:s23+s2], $0x80, $0x38;
	[tilespmem:$0x10200] =	vst v63  }
0x5e: {  	s24 =	sand.u32 $0x1FFFFFF0, s31;
	s25 =	spop (v2sf);
	s20 =	sadd.s32 s3, s30  }
0x5f: {  	[tilespmem:s21], [sflag:$0x1] =	stream.linear.gather [hbm4b:s20+s2], $0x80, $0x38;
	[tilespmem:$0x10200] =	vst v63  }
0x60: {  	s26 =	sand.u32 $0x1FFFFFF0, s25;
	s17 =	sadd.s32 s3, s24;
	s28 =	spop (v2sf)  }
0x61: {  	[tilespmem:s16], [sflag:$0x1] =	stream.linear.gather [hbm4b:s17+s2], $0x80, $0x38;
	[tilespmem:$0x10200] =	vst v63  }
0x62: {  	s20 =	sadd.s32 s3, s26;
	s29 =	sand.u32 $0x1FFFFFF0, s28;
	s30 =	spop (v2sf)  }
0x63: {  	[tilespmem:s18], [sflag:$0x1] =	stream.linear.gather [hbm4b:s20+s2], $0x80, $0x38;
	[tilespmem:$0x10200] =	vst v63  }
0x64: {  	s17 =	sand.u32 $0x1FFFFFF0, s30;
	s16 =	sadd.s32 s3, s29;
	s31 =	spop (v2sf)  }
0x65: {  	[tilespmem:s15], [sflag:$0x1] =	stream.linear.gather [hbm4b:s16+s2], $0x80, $0x38;
	[tilespmem:$0x10200] =	vst v63  }
0x66: {  	s17 =	sadd.s32 s3, s17;
	s20 =	sand.u32 $0x1FFFFFF0, s31;
	s21 =	spop (v2sf)  }
0x67: {  	[tilespmem:s19], [sflag:$0x1] =	stream.linear.gather [hbm4b:s17+s2], $0x80, $0x38;
	[tilespmem:$0x10200] =	vst v63  }
0x68: {  	s15 =	sadd.s32 s3, s20;
	s16 =	sand.u32 $0x1FFFFFF0, s21;
	s22 =	spop (v2sf)  }
0x69: {  	[tilespmem:s14], [sflag:$0x1] =	stream.linear.gather [hbm4b:s15+s2], $0x80, $0x38;
	[tilespmem:$0x10200] =	vst v63  }
0x6a: {  	s23 =	sand.u32 $0x1FFFFFF0, s22;
	s16 =	sadd.s32 s3, s16;
	s24 =	spop (v2sf)  }
0x6b: {  	[tilespmem:s12], [sflag:$0x1] =	stream.linear.gather [hbm4b:s16+s2], $0x80, $0x38;
	[tilespmem:$0x10200] =	vst v63  }
0x6c: {  	s25 =	sand.u32 $0x1FFFFFF0, s24;
	s26 =	spop (v2sf);
	s14 =	sadd.s32 s3, s23  }
0x6d: {  	[tilespmem:s13], [sflag:$0x1] =	stream.linear.gather [hbm4b:s14+s2], $0x80, $0x38;
	[tilespmem:$0x10200] =	vst v63  }
0x6e: {  	s29 =	sadd.s32 $0x900, s11;
	s28 =	sand.u32 $0x1FFFFFF0, s26;
	s12 =	sadd.s32 s3, s25  }
0x6f: {  	[tilespmem:s29], [sflag:$0x1] =	stream.linear.gather [hbm4b:s12+s2], $0x80, $0x38;
	[tilespmem:$0x10200] =	vst v63  }
0x70: {  	s30 =	sadd.s32 $0x980, s11;
	s31 =	sadd.s32 s3, s28  }
0x71: {  	[tilespmem:s30], [sflag:$0x1] =	stream.linear.gather [hbm4b:s31+s2], $0x80, $0x38;
	[tilespmem:$0x10200] =	vst v63  }
0x72: {  	s10 =	sadd.s32 $0x1, s10;
	_ =	swait.ge [sflag:s8], $0x10000  }
0x73: {  	p0 =	sne.s32 s10, s6;
	[sflag:s8] =	ssyncset.done $0x0  }
.Ltmp1:
0x74: {  	[sflag:s8] =	ssyncadd.s32 $0xFFFF0000;
	(pc) =	sbr.rel @p0 .LBB2_1-.Ltmp1, $4  }
0x75: {  	[hbm4b:s5+s2] =	stream.linear.scatter [tilespmem:s9], [sflag:$0x2], $0x10000, $0x38;
	[tilespmem:$0x10200] =	vst v63  }
0x76: {  	_ =	swait.ge [sflag:s7], $0x10000  }
0x77: {  	[sflag:s7] =	ssyncset.done $0x0  }
0x78: {  	[sflag:s7] =	ssyncadd.s32 $0xFFFF0000  }
0x79: {  	_ =	sfence.sel $0x180000  }
0x7a: {  	[bflag:$0x0] =	sbarrier.arrive $0xFFFF  }
0x7b: {  	p0 =	sne.s32 s1, $0x0;
	_ =	strace $0x90000047  }
0x7c: {  	s0 =	sadd.s32 @!p0 $0x100000, s0;
	[bflag:$0x2] =	sbarrier.arrive $0xFFFF  }
0x7d: {  	[sflag:s0] =	ssyncadd.tile.s32 @!p0 $0x1;
	_ =	shalt  }
.Lfunc_end2:
_tile_overlayer_lowered:
.L_overlay_start_2:
0x7e: {  	(tag) =	ssettag $0x2  }
0x7f: {  	s0 =	rddreg [dreg:$0x0];
	s2 =	stileid.u32  }
0x80: {  	s1 =	rddreg [dreg:$0x1];
	p0 =	sne.s32 s2, $0x0  }
0x81: {  	s3 =	rddreg [dreg:$0x2];
	[bflag:$0x3] =	sbarrier.arrive $0xFFFF;
	s2 =	simm.s32 @!p0 $0x1C02  }
0x82: {  	[timem:s3], [sflag:s2] =	dma.local @!p0 [hbm:s0], s1  }
0x83: {  	s0 =	simm.s32 @!p0 $0x2  }
0x84: {  	_ =	swait.ge @!p0 [sflag:s0], s1  }
0x85: {  	s1 =	ssub.s32 @!p0 $0x0, s1;
	[sflag:s0] =	ssyncset.done @!p0 $0x0  }
0x86: {  	[sflag:s0] =	ssyncadd.s32 @!p0 s1  }
0x87: {  	[bflag:$0x3] =	sbarrier.arrive $0xFFFF  }
0x88: {  	_ =	shalt  }

// kernel: kernel.8.cloned.1.call-start
scs
__scs_entry_jumppad:
0x0: {  	(pc) =	sbr.rel $0x88, $3  }
0x1: {  	(tag) =	ssettag $0x0;
	lr =	simm.s32 $0x1  }
0x2: {  	[smem:$0x3F8F] =	sst lr;
	_ =	strace $0xD0000000  }
0x3: {  	_ = 	snop  }
0x4: {  	_ = 	snop  }
0x5: {  	_ = 	snop  }
0x6: {  	_ = 	snop  }
0x7: {  	_ = 	snop  }
__scs_overlays_trampoline_lowered:
0x8: {  	[smem:$0x3F9E] =	sst s0  }
0x9: {  	[smem:$0x3F9F] =	sst s1  }
0xa: {  	[smem:$0x3FA0] =	sst s2  }
0xb: {  	[smem:$0x3FA1] =	sst s3  }
0xc: {  	[smem:$0x3FA2] =	sst s4  }
0xd: {  	[smem:$0x3FA3] =	sst s5  }
0xe: {  	[smem:$0x3FA4] =	sst s6  }
0xf: {  	[smem:$0x3FA5] =	sst s7  }
0x10: {  	[smem:$0x3FA6] =	sst s8  }
0x11: {  	[smem:$0x3FA7] =	sst s9;
	s0 =	simm.s32 @!p0 $0x0  }
0x12: {  	s1 =	sld [smem:$0x3F8D];
	s0 =	simm.s32 @p0 $0x1  }
0x13: {  	[smem:$0x3FA8] =	sst s0;
	s0 =	simm.s32 @!p1 $0x0  }
0x14: {  	s2 =	sld [smem:$0x3F8C];
	s0 =	simm.s32 @p1 $0x1  }
0x15: {  	[smem:$0x3FA9] =	sst s0;
	s0 =	simm.s32 @!p2 $0x0  }
0x16: {  	s3 =	sld [smem:$0x3FDB];
	s0 =	simm.s32 @p2 $0x1  }
0x17: {  	s4 =	simm.s32 $0x1BF5;
	[smem:$0x3FAB] =	sst s0  }
0x18: {  	s0 =	sld [smem:$0x3F8E];
	_ =	swait.ge [sflag:s4], $0x0  }
0x19: {  	s7 =	sld [smem:$0x3F8F]  }
0x1a: {  	s8 =	sadd.s32 $0xFFFFE003, lr  }
0x1b: {  	s9 =	sadd.s32 $0xFFFFFEF7, lr;
	s5 =	simm.s32 $0xFFFFFFFF;
	p2 =	slt.u32 s8, $0xFFFFF086  }
0x1c: {  	p1 =	slt.u32 s9, $0xF7A;
	s5 =	simm.s32 @!p2 $0x0  }
0x1d: {  	s5 =	simm.s32 @p1 $0x1;
	p0 =	seq.s32 s7, s2  }
0x1e: {  	s7 =	smul.u32 @!p0 $0xF7A, s2;
	p2 =	seq.s32 @!p0 s5, $0x0  }
0x1f: {  	s9 =	smul.u32 $0xF7A, s1;
	s8 =	simm.s32 @!p0 $0x1BF5;
	p2 =	por !p2, p0  }
0x20: {  	[sflag:s8] =	ssyncset.s32 @!p0 $0xFFFFF086;
	s6 =	sadd.s32 @!p0 s3, s7;
	s7 =	simm.s32 @!p0 $0x108  }
0x21: {  	s3 =	sadd.s32 s3, s9;
	s6 =	sadd.s32 @!p0 $0x88, s6;
	s7 =	simm.s32 @p2 $0x1082  }
0x22: {  	[simem:s7], [sflag:s8] =	dma.local @!p0 [hbm:s6], $0xF7A  }
0x23: {  	s9 =	sor.u32 $0xD0000000, s2;
	s6 =	simm.s32 $0x108;
	_ =	swait.ge @!p0 [sflag:s8], $0x0  }
0x24: {  	s3 =	sadd.s32 $0x88, s3;
	s6 =	simm.s32 @!p1 $0x1082;
	[sflag:s4] =	ssyncset.s32 $0xFFFFF086  }
0x25: {  	[simem:s6], [sflag:s4] =	dma.local [hbm:s3], $0xF7A  }
0x26: {  	[smem:$0x3F8F] =	sst s1;
	(tag) =	ssettag s2;
	_ =	strace s9  }
0x27: {  	s1 =	sld [smem:$0x3F9F]  }
0x28: {  	s2 =	sld [smem:$0x3FA0]  }
0x29: {  	s4 =	sld [smem:$0x3FA2]  }
0x2a: {  	p0 =	seq.s32 s5, $0x0;
	s5 =	sld [smem:$0x3FA3]  }
0x2b: {  	s6 =	sld [smem:$0x3FA4]  }
0x2c: {  	s7 =	sld [smem:$0x3FA5]  }
0x2d: {  	s3 =	simm.s32 $0x108;
	s8 =	sld [smem:$0x3FA6]  }
0x2e: {  	s3 =	simm.s32 @!p0 $0x1082;
	s9 =	sld [smem:$0x3FA7]  }
0x2f: {  	lr =	sadd.s32 s0, s3;
	s0 =	sld [smem:$0x3F9E]  }
0x30: {  	s3 =	sld [smem:$0x3FA1]  }
0x31: {  	[smem:$0x3FAA] =	sst s10  }
0x32: {  	s10 =	sld [smem:$0x3FA8];
	_ =	sdelay $0x3  }
0x33: {  	p0 =	seq.s32 s10, $0x1;
	s10 =	sld [smem:$0x3FAA];
	_ =	sdelay $0x3  }
0x34: {  	[smem:$0x3FAA] =	sst s10  }
0x35: {  	s10 =	sld [smem:$0x3FA9];
	_ =	sdelay $0x3  }
0x36: {  	p1 =	seq.s32 s10, $0x1;
	s10 =	sld [smem:$0x3FAA];
	_ =	sdelay $0x3  }
0x37: {  	[smem:$0x3FAA] =	sst s10  }
0x38: {  	s10 =	sld [smem:$0x3FAB]  }
0x39: {  	_ = 	snop;
	(pc) =	sbr.ind lr, $3  }
0x3a: {  	_ = 	snop  }
0x3b: {  	_ = 	snop  }
0x3c: {  	p2 =	seq.s32 s10, $0x1;
	s10 =	sld [smem:$0x3FAA]  }
0x3d: {  	_ =	shalt  }
0x3e: {  	_ =	shalt  }
0x3f: {  	_ =	shalt  }
0x40: {  	_ =	shalt  }
0x41: {  	_ =	shalt  }
0x42: {  	_ =	shalt  }
0x43: {  	_ =	shalt  }
0x44: {  	_ =	shalt  }
0x45: {  	_ =	shalt  }
0x46: {  	_ =	shalt  }
0x47: {  	_ =	shalt  }
0x48: {  	_ =	shalt  }
0x49: {  	_ =	shalt  }
0x4a: {  	_ =	shalt  }
0x4b: {  	_ =	shalt  }
0x4c: {  	_ =	shalt  }
0x4d: {  	_ =	shalt  }
0x4e: {  	_ =	shalt  }
0x4f: {  	_ =	shalt  }
0x50: {  	_ =	shalt  }
0x51: {  	_ =	shalt  }
0x52: {  	_ =	shalt  }
0x53: {  	_ =	shalt  }
0x54: {  	_ =	shalt  }
0x55: {  	_ =	shalt  }
0x56: {  	_ =	shalt  }
0x57: {  	_ =	shalt  }
0x58: {  	_ =	shalt  }
0x59: {  	_ =	shalt  }
0x5a: {  	_ =	shalt  }
0x5b: {  	_ =	shalt  }
0x5c: {  	_ =	shalt  }
0x5d: {  	_ =	shalt  }
0x5e: {  	_ =	shalt  }
0x5f: {  	_ =	shalt  }
0x60: {  	_ =	shalt  }
0x61: {  	_ =	shalt  }
0x62: {  	_ =	shalt  }
0x63: {  	_ =	shalt  }
0x64: {  	_ =	shalt  }
0x65: {  	_ =	shalt  }
0x66: {  	_ =	shalt  }
0x67: {  	_ =	shalt  }
0x68: {  	_ =	shalt  }
0x69: {  	_ =	shalt  }
0x6a: {  	_ =	shalt  }
0x6b: {  	_ =	shalt  }
0x6c: {  	_ =	shalt  }
0x6d: {  	_ =	shalt  }
0x6e: {  	_ =	shalt  }
0x6f: {  	_ =	shalt  }
0x70: {  	_ =	shalt  }
0x71: {  	_ =	shalt  }
0x72: {  	_ =	shalt  }
0x73: {  	_ =	shalt  }
0x74: {  	_ =	shalt  }
0x75: {  	_ =	shalt  }
0x76: {  	_ =	shalt  }
0x77: {  	_ =	shalt  }
0x78: {  	_ =	shalt  }
0x79: {  	_ =	shalt  }
0x7a: {  	_ =	shalt  }
0x7b: {  	_ =	shalt  }
0x7c: {  	_ =	shalt  }
0x7d: {  	_ =	shalt  }
0x7e: {  	_ =	shalt  }
0x7f: {  	_ =	shalt  }
0x80: {  	_ =	shalt  }
0x81: {  	_ =	shalt  }
0x82: {  	_ =	shalt  }
0x83: {  	_ =	shalt  }
0x84: {  	_ =	shalt  }
0x85: {  	_ =	shalt  }
0x86: {  	_ =	shalt  }
0x87: {  	_ =	shalt  }
.Lfunc_end0:
.L_simem_size_0:
called_computation.1_lowered:
.L_overlay_start_0:
0x88: {  	s2 =	sld [smem:$0x3FD9]  }
0x89: {  	s3 =	sld [smem:$0x3FFE];
	_ =	sdelay $0x1  }
0x8a: {  	s1 =	srdreg.scid  }
0x8b: {  	s0 =	sand.u32 $0x1, s1  }
0x8c: {  	s17 =	sshll.u32 s0, $0xA;
	s2 =	sadd.s32 s3, s2  }
0x8d: {  	s2 =	sadd.s32 s2, s17  }
0x8e: {  	[smem:$0x3FB6] =	sst s2  }
0x8f: {  	_ = 	snop  }
0x90: {  	s18 =	sld [smem:$0x3FC8];
	(tm) =	ssettm $0x1  }
0x91: {  	s19 =	sld [smem:$0x3FFB];
	_ =	sdelay $0x3  }
0x92: {  	_ =	strace s19  }
0x93: {  	s2 =	sld [smem:$0x3FFC];
	_ =	sdelay $0x3  }
0x94: {  	_ =	strace s2  }
0x95: {  	s2 =	sld [smem:$0x3FFD];
	_ =	sdelay $0x3  }
0x96: {  	_ =	strace s2  }
0x97: {  	_ =	strace $0x8FFFFFFF  }
0x98: {  	s20 =	sld [smem:$0x3FDB];
	_ =	sdelay $0x1  }
0x99: {  	s4 =	simm.s32 $_scs_section_size  }
0x9a: {  	s5 =	simm.s32 $_size__tile_overlayer_lowered;
	s6 =	simm.s32 $_tile_overlayer_lowered  }
0x9b: {  	s7 =	simm.s32 $0x1BFF;
	s21 =	sshll.u32 s6, $0x1;
	s4 =	sadd.s32 s4, s20  }
0x9c: {  	s22 =	simm.s32 $0x0;
	s5 =	sshll.u32 s5, $0x1;
	s6 =	sadd.s32 s21, s4  }
0x9d: {  	[timem:s22], [sflag:s7] =	dma.local [hbm:s6], s5  }
0x9e: {  	_ =	swait.ge [sflag:s7], s5  }
0x9f: {  	s5 =	ssub.s32 $0x0, s5;
	[sflag:s7] =	ssyncset.done $0x0  }
0xa0: {  	[sflag:s7] =	ssyncadd.s32 s5;
	_ =	sdelay $0x1  }
0xa1: {  	s23 =	simm.s32 $0x1B8B  }
0xa2: {  	_ =	swait.ge [sflag:s23], $0x1  }
0xa3: {  	[sflag:s23] =	ssyncset.done $0x0  }
0xa4: {  	[sflag:s23] =	ssyncadd.s32 $0xFFFFFFFF  }
0xa5: {  	s5 =	sld [smem:$0x0]  }
0xa6: {  	s6 =	sand.u32 $0xFFFFFFFE, s1  }
0xa7: {  	p0 =	sne.s32 s1, s6  }
0xa8: {  	s6 =	sshll.u32 @p0 s6, $0xE  }
0xa9: {  	s6 =	sadd.s32 @p0 $0x11B8D, s6;
	s7 =	sshll.u32 @p0 s5, $0x11  }
0xaa: {  	s6 =	sor.u32 @p0 s7, s6  }
0xab: {  	[sflag:s6] =	ssyncadd.remote.s32 @p0 $0x1;
	_ =	sdelay $0x1  }
0xac: {  	s6 =	simm.s32 @p0 $0x1B8D  }
0xad: {  	_ =	swait.eq @p0 [sflag:s6], $0x1  }
0xae: {  	[sflag:s6] =	ssyncadd.s32 @p0 $0xFFFFFFFF  }
0xaf: {  	s7 =	sshll.u32 @!p0 s1, $0xE  }
0xb0: {  	s7 =	sor.u32 @!p0 $0x4000, s7;
	s6 =	simm.s32 @!p0 $0x1B8D  }
0xb1: {  	s5 =	sshll.u32 @!p0 s5, $0x11;
	s7 =	sadd.s32 @!p0 $0x11B8D, s7;
	_ =	swait.eq @!p0 [sflag:s6], $0x1  }
0xb2: {  	s5 =	sor.u32 @!p0 s5, s7;
	[sflag:s6] =	ssyncadd.s32 @!p0 $0xFFFFFFFF  }
0xb3: {  	s25 =	simm.s32 $0x1B8E;
	s24 =	sld [smem:$0x3FFE];
	[sflag:s5] =	ssyncadd.remote.s32 @!p0 $0x1  }
0xb4: {  	s26 =	simm.s32 $execute0_lowered;
	[smem:$0x3FD2] =	sst s25  }
0xb5: {  	s6 =	sshll.u32 s26, $0x1;
	_ =	strace $0x80000049;
	[dreg:$0x1] =	wrdreg $0xFFFFFFFF  }
0xb6: {  	s28 =	simm.s32 $_size_execute0_lowered;
	s4 =	sadd.s32 s4, s6;
	[dreg:$0x0] =	wrdreg $0x0  }
0xb7: {  	s6 =	sshll.u32 s28, $0x1;
	[dreg:$0x2] =	wrdreg s4  }
0xb8: {  	[dreg:$0x3] =	wrdreg s6  }
0xb9: {  	[dreg:$0x4] =	wrdreg $0xC0  }
0xba: {  	_ =	task [dreg:s22], $0x5FFFF  }
0xbb: {  	[dreg:$0x1] =	wrdreg $0xFFFFFFFF  }
0xbc: {  	[dreg:$0x0] =	wrdreg $0x60  }
0xbd: {  	[dreg:$0x2] =	wrdreg s18  }
0xbe: {  	[dreg:$0x3] =	wrdreg s24  }
0xbf: {  	[dreg:$0x4] =	wrdreg $0xA  }
0xc0: {  	_ =	task.clear_ibuf [dreg:s22], $0x5FFFF;
	_ =	strace $0x90000049  }
0xc1: {  	s29 =	simm.s32 $0xA;
	_ =	strace $0x8000004B  }
0xc2: {  	_ =	swait.ge [sflag:s29], $0x1  }
0xc3: {  	[sflag:s29] =	ssyncadd.s32 $0xFFFFFFFF  }
0xc4: {  	_ =	strace $0x9000004B  }
0xc5: {  	_ =	sfence  }
0xc6: {  	s30 =	sld [smem:$0x0];
	_ =	sdelay $0x2  }
0xc7: {  	s31 =	sshll.u32 s1, $0xD;
	s1 =	sshrl.u32 s1, $0x2  }
0xc8: {  	s4 =	sand.u32 $0x4000, s31;
	s1 =	sadd.s32 s1, s30  }
0xc9: {  	s0 =	sor.u32 s4, s0;
	s1 =	sshll.u32 s1, $0x11  }
0xca: {  	s0 =	sor.u32 s1, s0  }
0xcb: {  	s0 =	sadd.s32 $0x8F2B, s0  }
0xcc: {  	[sflag:s0] =	ssyncadd.remote.s32 $0x1  }
0xcd: {  	_ =	sfence.sel $0xFFFF  }
0xce: {  	[dreg:$0x0] =	wrdreg $0xFFFFFFFF;
	(pc) =	sbr.abs _section_cstart, $3  }
0xcf: {  	[dreg:$0x1] =	wrdreg $0xFFFFFFFF  }
0xd0: {  	_ =	task.clear_ibuf [dreg:s22], $0x2FFFF;
	_ =	strace $0x9FFFFFFF  }
0xd1: {  	(tm) =	ssettm $0x7FFFFFFF  }
tec
execute0_lowered:
.L_overlay_start_1:
0x0: {  	(tag) =	ssettag $0x1  }
0x1: {  	s4 =	rddreg [dreg:$0x0]  }
0x2: {  	s5 =	rddreg [dreg:$0x1]  }
0x3: {  	s0 =	rddreg [dreg:$0x2];
	s2 =	simm.s32 $0x0;
	s3 =	srdreg.scid  }
0x4: {  	s1 =	stileid.u32;
	s10 =	simm.s32 $0x0;
	s6 =	sand.u32 $0x1, s3  }
0x5: {  	[smem:$0x7FF] =	sst s2;
	s7 =	sshll.u32 s1, $0xA;
	s8 =	sshll.u32 s6, $0x9  }
0x6: {  	s3 =	sadd.s32 $0x1CAC00, s5;
	s6 =	ssub.s32 $0x2, s6;
	s7 =	sor.u32 s8, s7  }
0x7: {  	_ =	strace $0x8000004A;
	s9 =	sshrl.u32 s6, $0x1;
	s8 =	sshll.u32 s7, $0x4  }
0x8: {  	s7 =	sshrl.u32 s7, $0x3;
	s6 =	ssub.s32 s6, s9;
	s9 =	simm.s32 $0x200  }
0x9: {  	s5 =	sadd.s32 s8, s5;
	s4 =	sadd.s32 s4, s7;
	s6 =	smax.u32 s6, $0x1  }
0xa: {  	s7 =	simm.s32 $0x2;
	s8 =	simm.s32 $0x1;
	s5 =	sadd.s32 $0x351600, s5  }
.LBB2_1:
0xb: {  	[tilespmem:s2], [sflag:$0x2] =	stream.linear.gather [hbm4b:s4+s2], $0x200, $0x38;
	[tilespmem:$0x10200] =	vst v63  }
0xc: {  	_ =	swait.ge [sflag:s7], $0x200  }
0xd: {  	[sflag:s7] =	ssyncset.done $0x0  }
0xe: {  	[sflag:s7] =	ssyncadd.s32 $0xFFFFFE00  }
0xf: {  	v0 =	vld [tilespmem:s2+$0x0];
	_ =	sdelay $0x4  }
0x10: {  	v0 =	vshll.u32 v0, $0x4  }
0x11: {  	(v2sf) =	vpush v0, $0x0  }
0x12: {  	(v2sf) =	vpush v0, $0x1  }
0x13: {  	(v2sf) =	vpush v0, $0x2;
	_ =	sdelay $0x1  }
0x14: {  	(v2sf) =	vpush v0, $0x4;
	_ =	sdelay $0x1  }
0x15: {  	(v2sf) =	vpush v0, $0x3  }
0x16: {  	(v2sf) =	vpush v0, $0x5  }
0x17: {  	s12 =	simm.s32 $0x2000;
	s11 =	simm.s32 $0x0;
	s13 =	simm.s32 $0x0;
	(v2sf) =	vpush v0, $0x6  }
.LBB2_2:
0x18: {  	p0 =	sne.s32 s12, $0x3E000  }
0x19: {  	s23 =	sadd.s32 $0x280, s11;
	s17 =	sadd.s32 $0x780, s11;
	s14 =	smov.u32 s12  }
0x1a: {  	s12 =	sadd.s32 $0x2000, s12;
	s20 =	sadd.s32 $0x580, s11;
	s15 =	sadd.s32 $0x800, s11;
	(v2sf) =	vpush v0, $0x7  }
0x1b: {  	s22 =	sadd.s32 $0x480, s11;
	s19 =	sadd.s32 $0x600, s11;
	s16 =	sadd.s32 $0x880, s11  }
0x1c: {  	s24 =	sadd.s32 $0x200, s11;
	s25 =	sadd.s32 $0x400, s11;
	(v2sf) =	vpush v0, $0x8  }
0x1d: {  	s26 =	sadd.s32 $0x500, s11;
	s13 =	sadd.s32 $0x10, s13  }
0x1e: {  	s28 =	sadd.s32 $0x300, s11;
	s18 =	sadd.s32 $0x700, s11;
	s21 =	spop (v2sf);
	(v2sf) =	vpush v0, $0x9  }
0x1f: {  	s29 =	sand.u32 $0x1FFFFFF0, s21;
	s21 =	sadd.s32 $0x680, s11;
	s30 =	spop (v2sf)  }
0x20: {  	s29 =	sadd.s32 s3, s29;
	s30 =	sand.u32 $0x1FFFFFF0, s30;
	s31 =	spop (v2sf);
	(v2sf) =	vpush v0, $0xA  }
0x21: {  	[tilespmem:s24], [sflag:$0x1] =	stream.linear.gather [hbm4b:s29+s2], $0x80, $0x38;
	[tilespmem:$0x10200] =	vst v63  }
0x22: {  	s24 =	sadd.s32 s3, s30;
	s29 =	sadd.s32 $0x380, s11;
	s30 =	spop (v2sf);
	(v2sf) =	vpush v0, $0xB  }
0x23: {  	[tilespmem:s23], [sflag:$0x1] =	stream.linear.gather [hbm4b:s24+s2], $0x80, $0x38;
	[tilespmem:$0x10200] =	vst v63  }
0x24: {  	s23 =	sand.u32 $0x1FFFFFF0, s31;
	s24 =	sand.u32 $0x1FFFFFF0, s30;
	s30 =	spop (v2sf);
	(v2sf) =	vpush v0, $0xC  }
0x25: {  	s23 =	sadd.s32 s3, s23;
	s30 =	sand.u32 $0x1FFFFFF0, s30;
	s31 =	spop (v2sf)  }
0x26: {  	[tilespmem:s28], [sflag:$0x1] =	stream.linear.gather [hbm4b:s23+s2], $0x80, $0x38;
	(v2sf) =	vpush v0, $0xD;
	[tilespmem:$0x10200] =	vst v63  }
0x27: {  	s23 =	sadd.s32 s3, s30;
	s28 =	sand.u32 $0x1FFFFFF0, s31;
	s30 =	spop (v2sf)  }
0x28: {  	[tilespmem:s29], [sflag:$0x1] =	stream.linear.gather [hbm4b:s23+s2], $0x80, $0x38;
	(v2sf) =	vpush v0, $0xE;
	[tilespmem:$0x10200] =	vst v63  }
0x29: {  	s23 =	sadd.s32 s3, s24;
	s24 =	sand.u32 $0x1FFFFFF0, s30;
	s29 =	spop (v2sf)  }
0x2a: {  	[tilespmem:s25], [sflag:$0x1] =	stream.linear.gather [hbm4b:s23+s2], $0x80, $0x38;
	(v2sf) =	vpush v0, $0xF;
	[tilespmem:$0x10200] =	vst v63  }
0x2b: {  	s23 =	sadd.s32 s3, s28;
	s25 =	sand.u32 $0x1FFFFFF0, s29;
	s28 =	spop (v2sf)  }
0x2c: {  	[tilespmem:s22], [sflag:$0x1] =	stream.linear.gather [hbm4b:s23+s2], $0x80, $0x38;
	[tilespmem:$0x10200] =	vst v63  }
0x2d: {  	s22 =	sadd.s32 s3, s24;
	s23 =	sand.u32 $0x1FFFFFF0, s28;
	s24 =	spop (v2sf)  }
0x2e: {  	[tilespmem:s26], [sflag:$0x1] =	stream.linear.gather [hbm4b:s22+s2], $0x80, $0x38;
	[tilespmem:$0x10200] =	vst v63  }
0x2f: {  	s22 =	sadd.s32 s3, s25;
	s24 =	sand.u32 $0x1FFFFFF0, s24;
	s25 =	spop (v2sf)  }
0x30: {  	[tilespmem:s20], [sflag:$0x1] =	stream.linear.gather [hbm4b:s22+s2], $0x80, $0x38;
	[tilespmem:$0x10200] =	vst v63  }
0x31: {  	s20 =	sadd.s32 s3, s23;
	s22 =	sand.u32 $0x1FFFFFF0, s25;
	s23 =	spop (v2sf)  }
0x32: {  	[tilespmem:s19], [sflag:$0x1] =	stream.linear.gather [hbm4b:s20+s2], $0x80, $0x38;
	[tilespmem:$0x10200] =	vst v63  }
0x33: {  	s19 =	sadd.s32 s3, s24;
	s20 =	sand.u32 $0x1FFFFFF0, s23;
	s23 =	spop (v2sf)  }
0x34: {  	[tilespmem:s21], [sflag:$0x1] =	stream.linear.gather [hbm4b:s19+s2], $0x80, $0x38;
	[tilespmem:$0x10200] =	vst v63  }
0x35: {  	s19 =	sadd.s32 s3, s22;
	s21 =	sand.u32 $0x1FFFFFF0, s23;
	s22 =	spop (v2sf)  }
0x36: {  	[tilespmem:s18], [sflag:$0x1] =	stream.linear.gather [hbm4b:s19+s2], $0x80, $0x38;
	[tilespmem:$0x10200] =	vst v63  }
0x37: {  	s18 =	sadd.s32 s3, s20;
	s19 =	sand.u32 $0x1FFFFFF0, s22;
	s20 =	spop (v2sf)  }
0x38: {  	[tilespmem:s17], [sflag:$0x1] =	stream.linear.gather [hbm4b:s18+s2], $0x80, $0x38;
	[tilespmem:$0x10200] =	vst v63  }
0x39: {  	s17 =	sadd.s32 s3, s21;
	s18 =	sand.u32 $0x1FFFFFF0, s20;
	s20 =	spop (v2sf)  }
0x3a: {  	[tilespmem:s15], [sflag:$0x1] =	stream.linear.gather [hbm4b:s17+s2], $0x80, $0x38;
	[tilespmem:$0x10200] =	vst v63  }
0x3b: {  	s15 =	sadd.s32 s3, s19;
	s17 =	sand.u32 $0x1FFFFFF0, s20  }
0x3c: {  	[tilespmem:s16], [sflag:$0x1] =	stream.linear.gather [hbm4b:s15+s2], $0x80, $0x38;
	[tilespmem:$0x10200] =	vst v63  }
0x3d: {  	s15 =	sadd.s32 $0x900, s11;
	s16 =	sadd.s32 s3, s18  }
0x3e: {  	[tilespmem:s15], [sflag:$0x1] =	stream.linear.gather [hbm4b:s16+s2], $0x80, $0x38;
	[tilespmem:$0x10200] =	vst v63  }
0x3f: {  	s11 =	sadd.s32 $0x980, s11;
	s15 =	sadd.s32 s3, s17  }
0x40: {  	[tilespmem:s11], [sflag:$0x1] =	stream.linear.gather [hbm4b:s15+s2], $0x80, $0x38;
	[tilespmem:$0x10200] =	vst v63  }
0x41: {  	v0 =	vld [tilespmem:s13+$0x0];
	_ =	sdelay $0x4  }
0x42: {  	v0 =	vshll.u32 v0, $0x4  }
0x43: {  	(v2sf) =	vpush v0, $0x0  }
0x44: {  	(v2sf) =	vpush v0, $0x1  }
0x45: {  	(v2sf) =	vpush v0, $0x2;
	_ =	sdelay $0x1  }
0x46: {  	(v2sf) =	vpush v0, $0x4  }
.Ltmp0:
0x47: {  	(pc) =	sbr.rel @p0 .LBB2_2-.Ltmp0, $3  }
0x48: {  	(v2sf) =	vpush v0, $0x3  }
0x49: {  	(v2sf) =	vpush v0, $0x5;
	_ =	sdelay $0x1  }
0x4a: {  	s11 =	sshra.s32 s14, $0x2;
	(v2sf) =	vpush v0, $0x6  }
0x4b: {  	_ =	sdelay $0x1  }
0x4c: {  	s15 =	sadd.s32 $0x280, s11;
	s14 =	sadd.s32 $0x780, s11  }
0x4d: {  	s16 =	sadd.s32 $0x580, s11;
	s12 =	sadd.s32 $0x800, s11;
	(v2sf) =	vpush v0, $0x7;
	s17 =	sadd.s32 $0x480, s11  }
0x4e: {  	s18 =	sadd.s32 $0x600, s11;
	s13 =	sadd.s32 $0x880, s11;
	s19 =	sadd.s32 $0x200, s11  }
0x4f: {  	s20 =	sadd.s32 $0x400, s11;
	s21 =	sadd.s32 $0x500, s11;
	(v2sf) =	vpush v0, $0x8;
	s22 =	spop (v2sf)  }
0x50: {  	s23 =	sadd.s32 $0x300, s11;
	s22 =	sand.u32 $0x1FFFFFF0, s22;
	s24 =	spop (v2sf)  }
0x51: {  	(v2sf) =	vpush v0, $0x9;
	s22 =	sadd.s32 s3, s22;
	s24 =	sand.u32 $0x1FFFFFF0, s24;
	s25 =	spop (v2sf)  }
0x52: {  	[tilespmem:s19], [sflag:$0x1] =	stream.linear.gather [hbm4b:s22+s2], $0x80, $0x38;
	[tilespmem:$0x10200] =	vst v63  }
0x53: {  	s26 =	sadd.s32 $0x380, s11;
	(v2sf) =	vpush v0, $0xA;
	s30 =	sadd.s32 s3, s24;
	s31 =	spop (v2sf)  }
0x54: {  	[tilespmem:s15], [sflag:$0x1] =	stream.linear.gather [hbm4b:s30+s2], $0x80, $0x38;
	[tilespmem:$0x10200] =	vst v63  }
0x55: {  	s19 =	sadd.s32 $0x700, s11;
	s28 =	sand.u32 $0x1FFFFFF0, s25;
	(v2sf) =	vpush v0, $0xB;
	s29 =	spop (v2sf)  }
0x56: {  	s22 =	sadd.s32 s3, s28;
	s15 =	sadd.s32 $0x680, s11;
	s25 =	sand.u32 $0x1FFFFFF0, s29  }
0x57: {  	(v2sf) =	vpush v0, $0xC;
	[tilespmem:s23], [sflag:$0x1] =	stream.linear.gather [hbm4b:s22+s2], $0x80, $0x38;
	[tilespmem:$0x10200] =	vst v63  }
0x58: {  	s30 =	sand.u32 $0x1FFFFFF0, s31;
	s31 =	spop (v2sf);
	s28 =	sadd.s32 s3, s25  }
0x59: {  	(v2sf) =	vpush v0, $0xD;
	[tilespmem:s26], [sflag:$0x1] =	stream.linear.gather [hbm4b:s28+s2], $0x80, $0x38;
	[tilespmem:$0x10200] =	vst v63  }
0x5a: {  	s22 =	sadd.s32 s3, s30;
	s23 =	sand.u32 $0x1FFFFFF0, s31;
	s29 =	spop (v2sf)  }
0x5b: {  	(v2sf) =	vpush v0, $0xE;
	[tilespmem:s20], [sflag:$0x1] =	stream.linear.gather [hbm4b:s22+s2], $0x80, $0x38;
	[tilespmem:$0x10200] =	vst v63  }
0x5c: {  	s23 =	sadd.s32 s3, s23;
	s30 =	sand.u32 $0x1FFFFFF0, s29;
	s31 =	spop (v2sf)  }
0x5d: {  	(v2sf) =	vpush v0, $0xF;
	[tilespmem:s17], [sflag:$0x1] =	stream.linear.gather [hbm4b:s23+s2], $0x80, $0x38;
	[tilespmem:$0x10200] =	vst v63  }
0x5e: {  	s24 =	sand.u32 $0x1FFFFFF0, s31;
	s25 =	spop (v2sf);
	s20 =	sadd.s32 s3, s30  }
0x5f: {  	[tilespmem:s21], [sflag:$0x1] =	stream.linear.gather [hbm4b:s20+s2], $0x80, $0x38;
	[tilespmem:$0x10200] =	vst v63  }
0x60: {  	s26 =	sand.u32 $0x1FFFFFF0, s25;
	s17 =	sadd.s32 s3, s24;
	s28 =	spop (v2sf)  }
0x61: {  	[tilespmem:s16], [sflag:$0x1] =	stream.linear.gather [hbm4b:s17+s2], $0x80, $0x38;
	[tilespmem:$0x10200] =	vst v63  }
0x62: {  	s20 =	sadd.s32 s3, s26;
	s29 =	sand.u32 $0x1FFFFFF0, s28;
	s30 =	spop (v2sf)  }
0x63: {  	[tilespmem:s18], [sflag:$0x1] =	stream.linear.gather [hbm4b:s20+s2], $0x80, $0x38;
	[tilespmem:$0x10200] =	vst v63  }
0x64: {  	s17 =	sand.u32 $0x1FFFFFF0, s30;
	s16 =	sadd.s32 s3, s29;
	s31 =	spop (v2sf)  }
0x65: {  	[tilespmem:s15], [sflag:$0x1] =	stream.linear.gather [hbm4b:s16+s2], $0x80, $0x38;
	[tilespmem:$0x10200] =	vst v63  }
0x66: {  	s17 =	sadd.s32 s3, s17;
	s20 =	sand.u32 $0x1FFFFFF0, s31;
	s21 =	spop (v2sf)  }
0x67: {  	[tilespmem:s19], [sflag:$0x1] =	stream.linear.gather [hbm4b:s17+s2], $0x80, $0x38;
	[tilespmem:$0x10200] =	vst v63  }
0x68: {  	s15 =	sadd.s32 s3, s20;
	s16 =	sand.u32 $0x1FFFFFF0, s21;
	s22 =	spop (v2sf)  }
0x69: {  	[tilespmem:s14], [sflag:$0x1] =	stream.linear.gather [hbm4b:s15+s2], $0x80, $0x38;
	[tilespmem:$0x10200] =	vst v63  }
0x6a: {  	s23 =	sand.u32 $0x1FFFFFF0, s22;
	s16 =	sadd.s32 s3, s16;
	s24 =	spop (v2sf)  }
0x6b: {  	[tilespmem:s12], [sflag:$0x1] =	stream.linear.gather [hbm4b:s16+s2], $0x80, $0x38;
	[tilespmem:$0x10200] =	vst v63  }
0x6c: {  	s25 =	sand.u32 $0x1FFFFFF0, s24;
	s26 =	spop (v2sf);
	s14 =	sadd.s32 s3, s23  }
0x6d: {  	[tilespmem:s13], [sflag:$0x1] =	stream.linear.gather [hbm4b:s14+s2], $0x80, $0x38;
	[tilespmem:$0x10200] =	vst v63  }
0x6e: {  	s29 =	sadd.s32 $0x900, s11;
	s28 =	sand.u32 $0x1FFFFFF0, s26;
	s12 =	sadd.s32 s3, s25  }
0x6f: {  	[tilespmem:s29], [sflag:$0x1] =	stream.linear.gather [hbm4b:s12+s2], $0x80, $0x38;
	[tilespmem:$0x10200] =	vst v63  }
0x70: {  	s30 =	sadd.s32 $0x980, s11;
	s31 =	sadd.s32 s3, s28  }
0x71: {  	[tilespmem:s30], [sflag:$0x1] =	stream.linear.gather [hbm4b:s31+s2], $0x80, $0x38;
	[tilespmem:$0x10200] =	vst v63  }
0x72: {  	s10 =	sadd.s32 $0x1, s10;
	_ =	swait.ge [sflag:s8], $0x10000  }
0x73: {  	p0 =	sne.s32 s10, s6;
	[sflag:s8] =	ssyncset.done $0x0  }
.Ltmp1:
0x74: {  	[sflag:s8] =	ssyncadd.s32 $0xFFFF0000;
	(pc) =	sbr.rel @p0 .LBB2_1-.Ltmp1, $4  }
0x75: {  	[hbm4b:s5+s2] =	stream.linear.scatter [tilespmem:s9], [sflag:$0x2], $0x10000, $0x38;
	[tilespmem:$0x10200] =	vst v63  }
0x76: {  	_ =	swait.ge [sflag:s7], $0x10000  }
0x77: {  	[sflag:s7] =	ssyncset.done $0x0  }
0x78: {  	[sflag:s7] =	ssyncadd.s32 $0xFFFF0000  }
0x79: {  	_ =	sfence.sel $0x180000  }
0x7a: {  	[bflag:$0x0] =	sbarrier.arrive $0xFFFF  }
0x7b: {  	p0 =	sne.s32 s1, $0x0;
	_ =	strace $0x9000004A  }
0x7c: {  	s0 =	sadd.s32 @!p0 $0x100000, s0;
	[bflag:$0x2] =	sbarrier.arrive $0xFFFF  }
0x7d: {  	[sflag:s0] =	ssyncadd.tile.s32 @!p0 $0x1;
	_ =	shalt  }
.Lfunc_end2:
_tile_overlayer_lowered:
.L_overlay_start_2:
0x7e: {  	(tag) =	ssettag $0x2  }
0x7f: {  	s0 =	rddreg [dreg:$0x0];
	s2 =	stileid.u32  }
0x80: {  	s1 =	rddreg [dreg:$0x1];
	p0 =	sne.s32 s2, $0x0  }
0x81: {  	s3 =	rddreg [dreg:$0x2];
	[bflag:$0x3] =	sbarrier.arrive $0xFFFF;
	s2 =	simm.s32 @!p0 $0x1C02  }
0x82: {  	[timem:s3], [sflag:s2] =	dma.local @!p0 [hbm:s0], s1  }
0x83: {  	s0 =	simm.s32 @!p0 $0x2  }
0x84: {  	_ =	swait.ge @!p0 [sflag:s0], s1  }
0x85: {  	s1 =	ssub.s32 @!p0 $0x0, s1;
	[sflag:s0] =	ssyncset.done @!p0 $0x0  }
0x86: {  	[sflag:s0] =	ssyncadd.s32 @!p0 s1  }
0x87: {  	[bflag:$0x3] =	sbarrier.arrive $0xFFFF  }
0x88: {  	_ =	shalt  }

</sc_bundles>
